<compile_context>
chip_gen: v7x
topology: tpu7x:2x2x1
jax: 0.10.2.dev20260603
libtpu: 0.0.44.dev20260713+nightly
codegen_flags: <defaults>
</compile_context>

<pallas_src>
import functools

import jax
import jax.numpy as jnp
from jax import lax
from jax.experimental import pallas as pl
from jax.experimental.pallas import tpu as pltpu
from jax.experimental.pallas import tpu_sc as plsc

NC = 2
NS = 16
LANES = 16
CHUNK = 128




def _agg_body(n_nodes, n_chunks, width, g_hbm, gh_hbm, src_hbm, dst_hbm,
              out_hbm, idx_s, idxd0, idxd1, rows0, rows1, acc_sh,
              sg0, sg1, sd0, sd1):
  c = lax.axis_index("c")
  s = lax.axis_index("s")
  w = c * NS + s
  rows_pt = n_nodes // NS

  pltpu.sync_copy(src_hbm.at[w], idx_s)
  pltpu.async_copy(dst_hbm.at[w, 0], idxd0, sd0)
  pltpu.async_copy(dst_hbm.at[w, 1], idxd1, sd1)
  pltpu.async_copy(g_hbm.at[idx_s.at[0]], rows0, sg0)
  pltpu.async_copy(g_hbm.at[idx_s.at[1]], rows1, sg1)
  pltpu.sync_copy(gh_hbm.at[pl.ds(s * rows_pt, rows_pt)],
                  acc_sh.at[pl.ds(s * rows_pt, rows_pt)])
  plsc.subcore_barrier()
  n_half = n_chunks // 2

  def step(k, carry):
    j0 = 2 * k
    pltpu.make_async_copy(g_hbm.at[pl.ds(0, CHUNK)], rows0, sg0).wait()
    pltpu.make_async_copy(dst_hbm.at[w, 0], idxd0, sd0).wait()
    pltpu.sync_copy(rows0, acc_sh.at[idxd0], add=True)

    @pl.when(k < n_half - 1)
    def _():
      pltpu.async_copy(g_hbm.at[idx_s.at[j0 + 2]], rows0, sg0)
      pltpu.async_copy(dst_hbm.at[w, j0 + 2], idxd0, sd0)

    pltpu.make_async_copy(g_hbm.at[pl.ds(0, CHUNK)], rows1, sg1).wait()
    pltpu.make_async_copy(dst_hbm.at[w, 1], idxd1, sd1).wait()
    pltpu.sync_copy(rows1, acc_sh.at[idxd1], add=True)

    @pl.when(k < n_half - 1)
    def _():
      pltpu.async_copy(g_hbm.at[idx_s.at[j0 + 3]], rows1, sg1)
      pltpu.async_copy(dst_hbm.at[w, j0 + 3], idxd1, sd1)

    return carry

  lax.fori_loop(0, n_half, step, 0)
  plsc.subcore_barrier()
  pltpu.sync_copy(acc_sh.at[pl.ds(s * rows_pt, rows_pt)],
                  out_hbm.at[c, pl.ds(s * rows_pt, rows_pt)])


def _sc_aggregate(g, gh, src_resh, dst_resh):
  n_nodes, width = g.shape
  n_chunks = src_resh.shape[1]
  mesh = plsc.VectorSubcoreMesh(core_axis_name="c", subcore_axis_name="s")
  return pl.kernel(
      functools.partial(_agg_body, n_nodes, n_chunks, width),
      out_type=jax.ShapeDtypeStruct((NC, n_nodes, width), jnp.float32),
      mesh=mesh,
      scratch_types=[
          pltpu.VMEM((n_chunks, CHUNK), jnp.int32),
          pltpu.VMEM((CHUNK,), jnp.int32),
          pltpu.VMEM((CHUNK,), jnp.int32),
          pltpu.VMEM((CHUNK, width), jnp.float32),
          pltpu.VMEM((CHUNK, width), jnp.float32),
          pltpu.VMEM_SHARED((n_nodes, width), jnp.float32),
          pltpu.SemaphoreType.DMA,
          pltpu.SemaphoreType.DMA,
          pltpu.SemaphoreType.DMA,
          pltpu.SemaphoreType.DMA,
      ],
  )(g, gh, src_resh, dst_resh)


def _deg_body(n_nodes, n_chunks, width, dst_hbm, ones_hbm, zeros_hbm,
              out_hbm, idx_d, ones_v, acc_sh, sem0):
  c = lax.axis_index("c")
  s = lax.axis_index("s")
  w = c * NS + s
  rows_pt = n_nodes // NS

  pltpu.sync_copy(ones_hbm, ones_v)
  pltpu.sync_copy(dst_hbm.at[w], idx_d)
  pltpu.sync_copy(zeros_hbm.at[pl.ds(s * rows_pt, rows_pt)],
                  acc_sh.at[pl.ds(s * rows_pt, rows_pt)])
  plsc.subcore_barrier()

  for p in range(4):
    pltpu.async_copy(ones_v, acc_sh.at[idx_d.at[p]], sem0, add=True)
  n_q = n_chunks // 4

  def step(k, carry):
    j0 = 4 * k
    for p in range(4):
      pltpu.make_async_copy(ones_v, acc_sh.at[idx_d.at[j0 + p]], sem0).wait()

      @pl.when(k < n_q - 1)
      def _():
        pltpu.async_copy(ones_v, acc_sh.at[idx_d.at[j0 + p + 4]], sem0,
                         add=True)

    return carry

  lax.fori_loop(0, n_q, step, 0)
  plsc.subcore_barrier()
  pltpu.sync_copy(acc_sh.at[pl.ds(s * rows_pt, rows_pt)],
                  out_hbm.at[c, pl.ds(s * rows_pt, rows_pt)])


def _sc_degree(dst_resh, ones_blk, zeros_w):
  n_nodes, width = zeros_w.shape
  n_chunks = dst_resh.shape[1]
  mesh = plsc.VectorSubcoreMesh(core_axis_name="c", subcore_axis_name="s")
  return pl.kernel(
      functools.partial(_deg_body, n_nodes, n_chunks, width),
      out_type=jax.ShapeDtypeStruct((NC, n_nodes, width), jnp.float32),
      mesh=mesh,
      scratch_types=[
          pltpu.VMEM((n_chunks, CHUNK), jnp.int32),
          pltpu.VMEM((CHUNK, width), jnp.float32),
          pltpu.VMEM_SHARED((n_nodes, width), jnp.float32),
          pltpu.SemaphoreType.DMA,
      ],
  )(dst_resh, ones_blk, zeros_w)




def _pre_body(degp_ref, x_ref, w1t_ref, dinv_ref, g_ref, gh_ref):
  deg = degp_ref[0, :, 0:1] + degp_ref[1, :, 0:1] + 1.0
  dinv = lax.rsqrt(deg)
  h = jnp.dot(x_ref[...], w1t_ref[...], preferred_element_type=jnp.float32)
  g = h * dinv
  dinv_ref[...] = dinv
  g_ref[...] = g
  gh_ref[...] = g * 0.5


def _tc_pre(degp, x, w1t):
  n, d = x.shape
  h = w1t.shape[1]
  return pl.pallas_call(
      _pre_body,
      out_shape=[
          jax.ShapeDtypeStruct((n, 1), jnp.float32),
          jax.ShapeDtypeStruct((n, h), jnp.float32),
          jax.ShapeDtypeStruct((n, h), jnp.float32),
      ],
  )(degp, x, w1t)


def _mid_body(n_nodes, p_ref, dinv_ref, b1_ref, w2t_ref, g_ref, gh_ref):
  h = p_ref[0] + p_ref[1]
  h = h * dinv_ref[...] + b1_ref[...]
  h = jnp.maximum(h, 0.0)
  g = jnp.dot(h, w2t_ref[...], preferred_element_type=jnp.float32)
  g = g * dinv_ref[...]
  row = lax.broadcasted_iota(jnp.int32, g.shape, 0)
  g = jnp.where(row < n_nodes, g, 0.0)
  g_ref[...] = g
  gh_ref[...] = g * 0.5


def _tc_mid(p, dinv, b1, w2t, n_nodes):
  n = p.shape[1]
  h = w2t.shape[1]
  return pl.pallas_call(
      functools.partial(_mid_body, n_nodes),
      out_shape=[
          jax.ShapeDtypeStruct((n, h), jnp.float32),
          jax.ShapeDtypeStruct((n, h), jnp.float32),
      ],
  )(p, dinv, b1, w2t)


def _post_body(p_ref, dinv_ref, b2_ref, wlt_ref, bl_ref, out_ref):
  h = p_ref[0] + p_ref[1]
  h = h * dinv_ref[...] + b2_ref[...]
  h = jnp.maximum(h, 0.0)
  out_ref[...] = (
      jnp.dot(h, wlt_ref[...], preferred_element_type=jnp.float32)
      + bl_ref[...])


def _tc_post(p, dinv, b2, wlt, bl):
  n = p.shape[1]
  n_out = wlt.shape[1]
  return pl.pallas_call(
      _post_body,
      out_shape=jax.ShapeDtypeStruct((n, n_out), jnp.float32),
  )(p, dinv, b2, wlt, bl)




def kernel(x, edge_index, W1, b1, W2, b2, Wl, bl):
  n_nodes, d = x.shape
  n_edges = edge_index.shape[1]
  n_workers = NC * NS

  n_pad = NS * 8 * ((n_nodes + NS * 8 - 1) // (NS * 8))
  x = jnp.pad(x, ((0, n_pad - n_nodes), (0, 0)))

  per_w = CHUNK * 8 * (
      (n_edges + n_workers * CHUNK * 8 - 1) // (n_workers * CHUNK * 8))
  e_pad = n_workers * per_w
  pad_n = e_pad - n_edges
  pad_i = jnp.arange(pad_n, dtype=jnp.int32)
  pad_src = n_nodes + pad_i % (n_pad - n_nodes)
  src_full = jnp.concatenate([edge_index[0], pad_src])
  dst_agg = jnp.concatenate([edge_index[1], pad_i % n_pad])
  dst_deg = jnp.concatenate([edge_index[1], pad_src])

  src32 = src_full.reshape(n_workers, per_w // CHUNK, CHUNK)
  dst32a = dst_agg.reshape(n_workers, per_w // CHUNK, CHUNK)
  dst32d = dst_deg.reshape(n_workers, per_w // CHUNK, CHUNK)

  ones_blk = jnp.ones((CHUNK, d), jnp.float32)
  zeros_w = jnp.zeros((n_pad, d), jnp.float32)
  degp = _sc_degree(dst32d, ones_blk, zeros_w)
  dinv, g1, gh1 = _tc_pre(degp, x, W1.T)
  p1 = _sc_aggregate(g1, gh1, src32, dst32a)
  g2, gh2 = _tc_mid(p1, dinv, b1.reshape(1, -1), W2.T, n_nodes)
  p2 = _sc_aggregate(g2, gh2, src32, dst32a)
  out = _tc_post(p2, dinv, b2.reshape(1, -1), Wl.T, bl.reshape(1, -1))
  return out[:n_nodes]

# --- scband reference (transcript-rebuilt; emitter-appended) ---
"""Pipeline reference for scband-fast-gcn-44822278701842 (READ-ONLY COPY).

The authoritative reference and input builder live on the scoring server;
editing this copy changes nothing except your own understanding.
"""

import jax, jax.numpy as jnp
import numpy as np

N = 10000
E = 320000
D = 128
H = 128
OUT = 2

def _kaiming(key, fan_out, fan_in):
    bound = np.sqrt(6.0 / fan_in)
    return jax.random.uniform(key, (fan_out, fan_in), dtype=jnp.float32, minval=-bound, maxval=bound)

def setup_inputs(seed: int = 0) -> dict:
    key = jax.random.key(seed)
    ks = jax.random.split(key, 6)
    x = jax.random.normal(ks[0], (N, D), dtype=jnp.float32)
    edge_index = jax.random.randint(ks[1], (2, E), 0, N, dtype=jnp.int32)
    W1 = _kaiming(ks[2], H, D)
    b1 = jnp.zeros((H,), dtype=jnp.float32)
    W2 = _kaiming(ks[3], H, H)
    b2 = jnp.zeros((H,), dtype=jnp.float32)
    Wl = _kaiming(ks[4], OUT, H)
    bl = jnp.zeros((OUT,), dtype=jnp.float32)
    return {"x": x, "edge_index": edge_index, "W1": W1, "b1": b1, "W2": W2, "b2": b2, "Wl": Wl, "bl": bl}

def _gcn_conv(x, src, dst, norm, W, b):
    # GCNConv: linear transform, then normalized scatter-add aggregation, then bias
    h = x @ W.T
    msg = h[src] * norm[:, None]
    out = jnp.zeros((N, h.shape[1]), dtype=h.dtype).at[dst].add(msg)
    return out + b

def reference(x, edge_index, W1, b1, W2, b2, Wl, bl):
    # add self-loops (PyG GCNConv default) and compute symmetric normalization
    loop = jnp.arange(N, dtype=edge_index.dtype)
    src = jnp.concatenate([edge_index[0], loop])
    dst = jnp.concatenate([edge_index[1], loop])
    deg = jnp.zeros((N,), dtype=jnp.float32).at[dst].add(1.0)
    dinv = jnp.where(deg > 0, jax.lax.rsqrt(jnp.maximum(deg, 1e-12)), 0.0)
    norm = dinv[src] * dinv[dst]
    # layer 1 + relu (dropout is identity in eval)
    h = jax.nn.relu(_gcn_conv(x, src, dst, norm, W1, b1))
    # layer 2 + relu
    h = jax.nn.relu(_gcn_conv(h, src, dst, norm, W2, b2))
    # final linear classifier
    return h @ Wl.T + bl

if __name__ == "__main__":
    import jax
    _d = setup_inputs()
    print(jax.jit(kernel)(*tuple(_d.values())))

</pallas_src>

<mosaic_0001>
#map = affine_map<(d0, d1) -> (0, 0)>
#map1 = affine_map<(d0, d1) -> (0, 0, 0)>
module attributes {stable_mosaic.version = 14 : i64} {
  func.func @_agg_body(%arg0: i32, %arg1: i32, %arg2: memref<10112x128xf32, #tpu.memory_space<hbm>>, %arg3: memref<10112x128xf32, #tpu.memory_space<hbm>>, %arg4: memref<32x80x128xi32, #tpu.memory_space<hbm>>, %arg5: memref<32x80x128xi32, #tpu.memory_space<hbm>>, %arg6: memref<2x10112x128xf32, #tpu.memory_space<hbm>>, %arg7: memref<80x128xi32, #tpu.memory_space<vmem>>, %arg8: memref<128xi32, #tpu.memory_space<vmem>>, %arg9: memref<128xi32, #tpu.memory_space<vmem>>, %arg10: memref<128x128xf32, #tpu.memory_space<vmem>>, %arg11: memref<128x128xf32, #tpu.memory_space<vmem>>, %arg12: memref<10112x128xf32, #tpu.memory_space<vmem_shared>>, %arg13: memref<!tpu.dma_semaphore, #tpu.memory_space<semaphore_mem>>, %arg14: memref<!tpu.dma_semaphore, #tpu.memory_space<semaphore_mem>>, %arg15: memref<!tpu.dma_semaphore, #tpu.memory_space<semaphore_mem>>, %arg16: memref<!tpu.dma_semaphore, #tpu.memory_space<semaphore_mem>>) attributes {dimension_semantics = [#tpu.dimension_semantics<core_parallel>, #tpu.dimension_semantics<subcore_parallel>], iteration_bounds = array<i64: 2, 16>, scalar_prefetch = 0 : i64, scratch_operands = 10 : i64, tpu.core_type = #tpu.core_type<sc_vector_subcore>, window_params = [{transform_indices = #map}, {transform_indices = #map}, {transform_indices = #map1}, {transform_indices = #map1}, {transform_indices = #map1}]} {
    %mul3A = arith.constant 16 : i32
    %mul3A_0 = arith.muli %arg0, %mul3A : i32
    %add3A = arith.addi %mul3A_0, %arg1 : i32
    "tpu.region"() ({
      %run_scoped3A = tpu.sem_alloc : memref<!tpu.dma_semaphore, #tpu.memory_space<semaphore_mem>>
      %dma_start3A_42 = arith.constant 0 : i32
      %dma_start3A_43 = arith.constant 0 : i32
      %dma_start3A_44 = tpu.memref_slice %arg4[%add3A, %dma_start3A_42, %dma_start3A_43] : memref<32x80x128xi32, #tpu.memory_space<hbm>> -> memref<1x80x128xi32, #tpu.memory_space<hbm>>
      %dma_start3A_45 = tpu.memref_squeeze %dma_start3A_44 : memref<1x80x128xi32, #tpu.memory_space<hbm>> -> memref<80x128xi32, #tpu.memory_space<hbm>>
      %dma_start3A_46 = arith.constant 0 : i32
      %dma_start3A_47 = arith.constant 0 : i32
      %dma_start3A_48 = tpu.memref_slice %arg4[%add3A, %dma_start3A_46, %dma_start3A_47] : memref<32x80x128xi32, #tpu.memory_space<hbm>> -> memref<1x80x128xi32, #tpu.memory_space<hbm>>
      %dma_start3A_49 = tpu.memref_squeeze %dma_start3A_48 : memref<1x80x128xi32, #tpu.memory_space<hbm>> -> memref<80x128xi32, #tpu.memory_space<hbm>>
      tpu.enqueue_dma source(%dma_start3A_49 : memref<80x128xi32, #tpu.memory_space<hbm>>) target(%arg7 : memref<80x128xi32, #tpu.memory_space<vmem>>) target_semaphore(%run_scoped3A : memref<!tpu.dma_semaphore, #tpu.memory_space<semaphore_mem>>)
      %dma_wait3A = arith.constant 0 : i32
      %dma_wait3A_50 = arith.constant 0 : i32
      %dma_wait3A_51 = tpu.memref_slice %arg4[%add3A, %dma_wait3A, %dma_wait3A_50] : memref<32x80x128xi32, #tpu.memory_space<hbm>> -> memref<1x80x128xi32, #tpu.memory_space<hbm>>
      %dma_wait3A_52 = tpu.memref_squeeze %dma_wait3A_51 : memref<1x80x128xi32, #tpu.memory_space<hbm>> -> memref<80x128xi32, #tpu.memory_space<hbm>>
      %dma_wait3A_53 = arith.constant 0 : i32
      %dma_wait3A_54 = arith.constant 0 : i32
      %dma_wait3A_55 = tpu.memref_slice %arg4[%add3A, %dma_wait3A_53, %dma_wait3A_54] : memref<32x80x128xi32, #tpu.memory_space<hbm>> -> memref<1x80x128xi32, #tpu.memory_space<hbm>>
      %dma_wait3A_56 = tpu.memref_squeeze %dma_wait3A_55 : memref<1x80x128xi32, #tpu.memory_space<hbm>> -> memref<80x128xi32, #tpu.memory_space<hbm>>
      tpu.wait_dma2 semaphore(%run_scoped3A : memref<!tpu.dma_semaphore, #tpu.memory_space<semaphore_mem>>) src(%dma_wait3A_56 : memref<80x128xi32, #tpu.memory_space<hbm>>) dst(%arg7 : memref<80x128xi32, #tpu.memory_space<vmem>>)
      tpu.yield
    }) : () -> ()
    %dma_start3A = arith.constant 0 : i32
    %dma_start3A_1 = arith.constant 0 : i32
    %dma_start3A_2 = tpu.memref_slice %arg5[%add3A, %dma_start3A, %dma_start3A_1] : memref<32x80x128xi32, #tpu.memory_space<hbm>> -> memref<1x1x128xi32, #tpu.memory_space<hbm>>
    %dma_start3A_3 = tpu.memref_squeeze %dma_start3A_2 : memref<1x1x128xi32, #tpu.memory_space<hbm>> -> memref<128xi32, #tpu.memory_space<hbm>>
    %dma_start3A_4 = arith.constant 0 : i32
    %dma_start3A_5 = tpu.memref_slice %arg5[%add3A, %dma_start3A, %dma_start3A_4] : memref<32x80x128xi32, #tpu.memory_space<hbm>> -> memref<1x1x128xi32, #tpu.memory_space<hbm>>
    %dma_start3A_6 = tpu.memref_squeeze %dma_start3A_5 : memref<1x1x128xi32, #tpu.memory_space<hbm>> -> memref<128xi32, #tpu.memory_space<hbm>>
    tpu.enqueue_dma source(%dma_start3A_6 : memref<128xi32, #tpu.memory_space<hbm>>) target(%arg8 : memref<128xi32, #tpu.memory_space<vmem>>) target_semaphore(%arg15 : memref<!tpu.dma_semaphore, #tpu.memory_space<semaphore_mem>>)
    %dma_start3A_7 = arith.constant 1 : i32
    %dma_start3A_8 = arith.constant 0 : i32
    %dma_start3A_9 = tpu.memref_slice %arg5[%add3A, %dma_start3A_7, %dma_start3A_8] : memref<32x80x128xi32, #tpu.memory_space<hbm>> -> memref<1x1x128xi32, #tpu.memory_space<hbm>>
    %dma_start3A_10 = tpu.memref_squeeze %dma_start3A_9 : memref<1x1x128xi32, #tpu.memory_space<hbm>> -> memref<128xi32, #tpu.memory_space<hbm>>
    %dma_start3A_11 = arith.constant 0 : i32
    %dma_start3A_12 = tpu.memref_slice %arg5[%add3A, %dma_start3A_7, %dma_start3A_11] : memref<32x80x128xi32, #tpu.memory_space<hbm>> -> memref<1x1x128xi32, #tpu.memory_space<hbm>>
    %dma_start3A_13 = tpu.memref_squeeze %dma_start3A_12 : memref<1x1x128xi32, #tpu.memory_space<hbm>> -> memref<128xi32, #tpu.memory_space<hbm>>
    tpu.enqueue_dma source(%dma_start3A_13 : memref<128xi32, #tpu.memory_space<hbm>>) target(%arg9 : memref<128xi32, #tpu.memory_space<vmem>>) target_semaphore(%arg16 : memref<!tpu.dma_semaphore, #tpu.memory_space<semaphore_mem>>)
    %dma_start3A_14 = arith.constant 0 : i32
    %dma_start3A_15 = arith.constant 0 : i32
    %dma_start3A_16 = tpu.memref_slice %arg7[%dma_start3A_14, %dma_start3A_15] : memref<80x128xi32, #tpu.memory_space<vmem>> -> memref<1x128xi32, #tpu.memory_space<vmem>>
    %dma_start3A_17 = tpu.memref_squeeze %dma_start3A_16 : memref<1x128xi32, #tpu.memory_space<vmem>> -> memref<128xi32, #tpu.memory_space<vmem>>
    %dma_start3A_18 = arith.constant 0 : i32
    %dma_start3A_19 = arith.constant 0 : i32
    %dma_start3A_20 = tpu.memref_slice %arg2[%dma_start3A_18, %dma_start3A_19] : memref<10112x128xf32, #tpu.memory_space<hbm>> -> memref<10112x128xf32, #tpu.memory_space<hbm>>
    tpu.enqueue_indirect_dma source(%dma_start3A_20 : memref<10112x128xf32, #tpu.memory_space<hbm>>) target(%arg10 : memref<128x128xf32, #tpu.memory_space<vmem>>) offsets(%dma_start3A_17 : memref<128xi32, #tpu.memory_space<vmem>>) semaphore(%arg13 : memref<!tpu.dma_semaphore, #tpu.memory_space<semaphore_mem>>)
    %dma_start3A_21 = arith.constant 1 : i32
    %dma_start3A_22 = arith.constant 0 : i32
    %dma_start3A_23 = tpu.memref_slice %arg7[%dma_start3A_21, %dma_start3A_22] : memref<80x128xi32, #tpu.memory_space<vmem>> -> memref<1x128xi32, #tpu.memory_space<vmem>>
    %dma_start3A_24 = tpu.memref_squeeze %dma_start3A_23 : memref<1x128xi32, #tpu.memory_space<vmem>> -> memref<128xi32, #tpu.memory_space<vmem>>
    %dma_start3A_25 = arith.constant 0 : i32
    %dma_start3A_26 = arith.constant 0 : i32
    %dma_start3A_27 = tpu.memref_slice %arg2[%dma_start3A_25, %dma_start3A_26] : memref<10112x128xf32, #tpu.memory_space<hbm>> -> memref<10112x128xf32, #tpu.memory_space<hbm>>
    tpu.enqueue_indirect_dma source(%dma_start3A_27 : memref<10112x128xf32, #tpu.memory_space<hbm>>) target(%arg11 : memref<128x128xf32, #tpu.memory_space<vmem>>) offsets(%dma_start3A_24 : memref<128xi32, #tpu.memory_space<vmem>>) semaphore(%arg14 : memref<!tpu.dma_semaphore, #tpu.memory_space<semaphore_mem>>)
    %mul3A_28 = arith.constant 632 : i32
    %mul3A_29 = arith.muli %arg1, %mul3A_28 : i32
    %mul3A_30 = arith.constant 632 : i32
    %mul3A_31 = arith.muli %arg1, %mul3A_30 : i32
    "tpu.region"() ({
      %run_scoped3A = tpu.sem_alloc : memref<!tpu.dma_semaphore, #tpu.memory_space<semaphore_mem>>
      %dma_start3A_42 = arith.constant 0 : i32
      %dma_start3A_43 = tpu.memref_slice %arg12[%mul3A_31, %dma_start3A_42] : memref<10112x128xf32, #tpu.memory_space<vmem_shared>> -> memref<632x128xf32, #tpu.memory_space<vmem_shared>>
      %dma_start3A_44 = arith.constant 0 : i32
      %dma_start3A_45 = tpu.memref_slice %arg3[%mul3A_29, %dma_start3A_44] : memref<10112x128xf32, #tpu.memory_space<hbm>> -> memref<632x128xf32, #tpu.memory_space<hbm>>
      tpu.enqueue_dma source(%dma_start3A_45 : memref<632x128xf32, #tpu.memory_space<hbm>>) target(%dma_start3A_43 : memref<632x128xf32, #tpu.memory_space<vmem_shared>>) target_semaphore(%run_scoped3A : memref<!tpu.dma_semaphore, #tpu.memory_space<semaphore_mem>>)
      %dma_wait3A = arith.constant 0 : i32
      %dma_wait3A_46 = tpu.memref_slice %arg12[%mul3A_31, %dma_wait3A] : memref<10112x128xf32, #tpu.memory_space<vmem_shared>> -> memref<632x128xf32, #tpu.memory_space<vmem_shared>>
      %dma_wait3A_47 = arith.constant 0 : i32
      %dma_wait3A_48 = tpu.memref_slice %arg3[%mul3A_29, %dma_wait3A_47] : memref<10112x128xf32, #tpu.memory_space<hbm>> -> memref<632x128xf32, #tpu.memory_space<hbm>>
      tpu.wait_dma2 semaphore(%run_scoped3A : memref<!tpu.dma_semaphore, #tpu.memory_space<semaphore_mem>>) src(%dma_wait3A_48 : memref<632x128xf32, #tpu.memory_space<hbm>>) dst(%dma_wait3A_46 : memref<632x128xf32, #tpu.memory_space<vmem_shared>>)
      tpu.yield
    }) : () -> ()
    %barrier3A = arith.constant 0 : index
    tpu.barrier barrier_id(%barrier3A)
    %scan3A = arith.constant 0 : i32
    %scan3A_32 = arith.constant 0 : i32
    %scan3A_33 = arith.constant 40 : i32
    %scan3A_34 = arith.addi %scan3A_32, %scan3A_33 : i32
    %scan3A_35 = arith.constant 1 : i32
    scf.for %scan3A_42 = %scan3A_32 to %scan3A_34 step %scan3A_35  : i32 {
      %mul3A_43 = arith.constant 2 : i32
      %mul3A_44 = arith.muli %mul3A_43, %scan3A_42 : i32
      %dma_wait3A = arith.constant 0 : i32
      %dma_wait3A_45 = arith.constant 0 : i32
      %dma_wait3A_46 = tpu.memref_slice %arg2[%dma_wait3A, %dma_wait3A_45] : memref<10112x128xf32, #tpu.memory_space<hbm>> -> memref<128x128xf32, #tpu.memory_space<hbm>>
      %dma_wait3A_47 = arith.constant 0 : i32
      %dma_wait3A_48 = arith.constant 0 : i32
      %dma_wait3A_49 = tpu.memref_slice %arg2[%dma_wait3A_47, %dma_wait3A_48] : memref<10112x128xf32, #tpu.memory_space<hbm>> -> memref<128x128xf32, #tpu.memory_space<hbm>>
      tpu.wait_dma2 semaphore(%arg13 : memref<!tpu.dma_semaphore, #tpu.memory_space<semaphore_mem>>) src(%dma_wait3A_49 : memref<128x128xf32, #tpu.memory_space<hbm>>) dst(%arg10 : memref<128x128xf32, #tpu.memory_space<vmem>>)
      %dma_wait3A_50 = arith.constant 0 : i32
      %dma_wait3A_51 = arith.constant 0 : i32
      %dma_wait3A_52 = tpu.memref_slice %arg5[%add3A, %dma_wait3A_50, %dma_wait3A_51] : memref<32x80x128xi32, #tpu.memory_space<hbm>> -> memref<1x1x128xi32, #tpu.memory_space<hbm>>
      %dma_wait3A_53 = tpu.memref_squeeze %dma_wait3A_52 : memref<1x1x128xi32, #tpu.memory_space<hbm>> -> memref<128xi32, #tpu.memory_space<hbm>>
      %dma_wait3A_54 = arith.constant 0 : i32
      %dma_wait3A_55 = tpu.memref_slice %arg5[%add3A, %dma_wait3A_50, %dma_wait3A_54] : memref<32x80x128xi32, #tpu.memory_space<hbm>> -> memref<1x1x128xi32, #tpu.memory_space<hbm>>
      %dma_wait3A_56 = tpu.memref_squeeze %dma_wait3A_55 : memref<1x1x128xi32, #tpu.memory_space<hbm>> -> memref<128xi32, #tpu.memory_space<hbm>>
      tpu.wait_dma2 semaphore(%arg15 : memref<!tpu.dma_semaphore, #tpu.memory_space<semaphore_mem>>) src(%dma_wait3A_56 : memref<128xi32, #tpu.memory_space<hbm>>) dst(%arg8 : memref<128xi32, #tpu.memory_space<vmem>>)
      "tpu.region"() ({
        %run_scoped3A = tpu.sem_alloc : memref<!tpu.dma_semaphore, #tpu.memory_space<semaphore_mem>>
        %dma_start3A_77 = arith.constant 0 : i32
        %dma_start3A_78 = arith.constant 0 : i32
        %dma_start3A_79 = tpu.memref_slice %arg12[%dma_start3A_77, %dma_start3A_78] : memref<10112x128xf32, #tpu.memory_space<vmem_shared>> -> memref<10112x128xf32, #tpu.memory_space<vmem_shared>>
        tpu.enqueue_indirect_dma source(%arg10 : memref<128x128xf32, #tpu.memory_space<vmem>>) target(%dma_start3A_79 : memref<10112x128xf32, #tpu.memory_space<vmem_shared>>) offsets(%arg8 : memref<128xi32, #tpu.memory_space<vmem>>) semaphore(%run_scoped3A : memref<!tpu.dma_semaphore, #tpu.memory_space<semaphore_mem>>) {add = true}
        %dma_wait3A_80 = arith.constant 0 : i32
        %dma_wait3A_81 = arith.constant 0 : i32
        %dma_wait3A_82 = tpu.memref_slice %arg12[%dma_wait3A_80, %dma_wait3A_81] : memref<10112x128xf32, #tpu.memory_space<vmem_shared>> -> memref<10112x128xf32, #tpu.memory_space<vmem_shared>>
        tpu.wait_indirect_dma semaphore(%run_scoped3A : memref<!tpu.dma_semaphore, #tpu.memory_space<semaphore_mem>>) src(%arg10 : memref<128x128xf32, #tpu.memory_space<vmem>>) dst(%dma_wait3A_82 : memref<10112x128xf32, #tpu.memory_space<vmem_shared>>)
        tpu.yield
      }) : () -> ()
      %lt3A = arith.constant 39 : i32
      %lt3A_57 = arith.cmpi slt, %scan3A_42, %lt3A : i32
      %convert_element_type3A = arith.extui %lt3A_57 : i1 to i32
      %cond3A = arith.constant 0 : i32
      %cond3A_58 = arith.cmpi ne, %convert_element_type3A, %cond3A : i32
      scf.if %cond3A_58 {
        %add3A_77 = arith.constant 2 : i32
        %add3A_78 = arith.addi %mul3A_44, %add3A_77 : i32
        %dma_start3A_79 = arith.constant 0 : i32
        %dma_start3A_80 = tpu.memref_slice %arg7[%add3A_78, %dma_start3A_79] : memref<80x128xi32, #tpu.memory_space<vmem>> -> memref<1x128xi32, #tpu.memory_space<vmem>>
        %dma_start3A_81 = tpu.memref_squeeze %dma_start3A_80 : memref<1x128xi32, #tpu.memory_space<vmem>> -> memref<128xi32, #tpu.memory_space<vmem>>
        %dma_start3A_82 = arith.constant 0 : i32
        %dma_start3A_83 = arith.constant 0 : i32
        %dma_start3A_84 = tpu.memref_slice %arg2[%dma_start3A_82, %dma_start3A_83] : memref<10112x128xf32, #tpu.memory_space<hbm>> -> memref<10112x128xf32, #tpu.memory_space<hbm>>
        tpu.enqueue_indirect_dma source(%dma_start3A_84 : memref<10112x128xf32, #tpu.memory_space<hbm>>) target(%arg10 : memref<128x128xf32, #tpu.memory_space<vmem>>) offsets(%dma_start3A_81 : memref<128xi32, #tpu.memory_space<vmem>>) semaphore(%arg13 : memref<!tpu.dma_semaphore, #tpu.memory_space<semaphore_mem>>)
        %add3A_85 = arith.constant 2 : i32
        %add3A_86 = arith.addi %mul3A_44, %add3A_85 : i32
        %dma_start3A_87 = arith.constant 0 : i32
        %dma_start3A_88 = tpu.memref_slice %arg5[%add3A, %add3A_86, %dma_start3A_87] : memref<32x80x128xi32, #tpu.memory_space<hbm>> -> memref<1x1x128xi32, #tpu.memory_space<hbm>>
        %dma_start3A_89 = tpu.memref_squeeze %dma_start3A_88 : memref<1x1x128xi32, #tpu.memory_space<hbm>> -> memref<128xi32, #tpu.memory_space<hbm>>
        %dma_start3A_90 = arith.constant 0 : i32
        %dma_start3A_91 = tpu.memref_slice %arg5[%add3A, %add3A_86, %dma_start3A_90] : memref<32x80x128xi32, #tpu.memory_space<hbm>> -> memref<1x1x128xi32, #tpu.memory_space<hbm>>
        %dma_start3A_92 = tpu.memref_squeeze %dma_start3A_91 : memref<1x1x128xi32, #tpu.memory_space<hbm>> -> memref<128xi32, #tpu.memory_space<hbm>>
        tpu.enqueue_dma source(%dma_start3A_92 : memref<128xi32, #tpu.memory_space<hbm>>) target(%arg8 : memref<128xi32, #tpu.memory_space<vmem>>) target_semaphore(%arg15 : memref<!tpu.dma_semaphore, #tpu.memory_space<semaphore_mem>>)
      } else {
      }
      %dma_wait3A_59 = arith.constant 0 : i32
      %dma_wait3A_60 = arith.constant 0 : i32
      %dma_wait3A_61 = tpu.memref_slice %arg2[%dma_wait3A_59, %dma_wait3A_60] : memref<10112x128xf32, #tpu.memory_space<hbm>> -> memref<128x128xf32, #tpu.memory_space<hbm>>
      %dma_wait3A_62 = arith.constant 0 : i32
      %dma_wait3A_63 = arith.constant 0 : i32
      %dma_wait3A_64 = tpu.memref_slice %arg2[%dma_wait3A_62, %dma_wait3A_63] : memref<10112x128xf32, #tpu.memory_space<hbm>> -> memref<128x128xf32, #tpu.memory_space<hbm>>
      tpu.wait_dma2 semaphore(%arg14 : memref<!tpu.dma_semaphore, #tpu.memory_space<semaphore_mem>>) src(%dma_wait3A_64 : memref<128x128xf32, #tpu.memory_space<hbm>>) dst(%arg11 : memref<128x128xf32, #tpu.memory_space<vmem>>)
      %dma_wait3A_65 = arith.constant 1 : i32
      %dma_wait3A_66 = arith.constant 0 : i32
      %dma_wait3A_67 = tpu.memref_slice %arg5[%add3A, %dma_wait3A_65, %dma_wait3A_66] : memref<32x80x128xi32, #tpu.memory_space<hbm>> -> memref<1x1x128xi32, #tpu.memory_space<hbm>>
      %dma_wait3A_68 = tpu.memref_squeeze %dma_wait3A_67 : memref<1x1x128xi32, #tpu.memory_space<hbm>> -> memref<128xi32, #tpu.memory_space<hbm>>
      %dma_wait3A_69 = arith.constant 0 : i32
      %dma_wait3A_70 = tpu.memref_slice %arg5[%add3A, %dma_wait3A_65, %dma_wait3A_69] : memref<32x80x128xi32, #tpu.memory_space<hbm>> -> memref<1x1x128xi32, #tpu.memory_space<hbm>>
      %dma_wait3A_71 = tpu.memref_squeeze %dma_wait3A_70 : memref<1x1x128xi32, #tpu.memory_space<hbm>> -> memref<128xi32, #tpu.memory_space<hbm>>
      tpu.wait_dma2 semaphore(%arg16 : memref<!tpu.dma_semaphore, #tpu.memory_space<semaphore_mem>>) src(%dma_wait3A_71 : memref<128xi32, #tpu.memory_space<hbm>>) dst(%arg9 : memref<128xi32, #tpu.memory_space<vmem>>)
      "tpu.region"() ({
        %run_scoped3A = tpu.sem_alloc : memref<!tpu.dma_semaphore, #tpu.memory_space<semaphore_mem>>
        %dma_start3A_77 = arith.constant 0 : i32
        %dma_start3A_78 = arith.constant 0 : i32
        %dma_start3A_79 = tpu.memref_slice %arg12[%dma_start3A_77, %dma_start3A_78] : memref<10112x128xf32, #tpu.memory_space<vmem_shared>> -> memref<10112x128xf32, #tpu.memory_space<vmem_shared>>
        tpu.enqueue_indirect_dma source(%arg11 : memref<128x128xf32, #tpu.memory_space<vmem>>) target(%dma_start3A_79 : memref<10112x128xf32, #tpu.memory_space<vmem_shared>>) offsets(%arg9 : memref<128xi32, #tpu.memory_space<vmem>>) semaphore(%run_scoped3A : memref<!tpu.dma_semaphore, #tpu.memory_space<semaphore_mem>>) {add = true}
        %dma_wait3A_80 = arith.constant 0 : i32
        %dma_wait3A_81 = arith.constant 0 : i32
        %dma_wait3A_82 = tpu.memref_slice %arg12[%dma_wait3A_80, %dma_wait3A_81] : memref<10112x128xf32, #tpu.memory_space<vmem_shared>> -> memref<10112x128xf32, #tpu.memory_space<vmem_shared>>
        tpu.wait_indirect_dma semaphore(%run_scoped3A : memref<!tpu.dma_semaphore, #tpu.memory_space<semaphore_mem>>) src(%arg11 : memref<128x128xf32, #tpu.memory_space<vmem>>) dst(%dma_wait3A_82 : memref<10112x128xf32, #tpu.memory_space<vmem_shared>>)
        tpu.yield
      }) : () -> ()
      %lt3A_72 = arith.constant 39 : i32
      %lt3A_73 = arith.cmpi slt, %scan3A_42, %lt3A_72 : i32
      %convert_element_type3A_74 = arith.extui %lt3A_73 : i1 to i32
      %cond3A_75 = arith.constant 0 : i32
      %cond3A_76 = arith.cmpi ne, %convert_element_type3A_74, %cond3A_75 : i32
      scf.if %cond3A_76 {
        %add3A_77 = arith.constant 3 : i32
        %add3A_78 = arith.addi %mul3A_44, %add3A_77 : i32
        %dma_start3A_79 = arith.constant 0 : i32
        %dma_start3A_80 = tpu.memref_slice %arg7[%add3A_78, %dma_start3A_79] : memref<80x128xi32, #tpu.memory_space<vmem>> -> memref<1x128xi32, #tpu.memory_space<vmem>>
        %dma_start3A_81 = tpu.memref_squeeze %dma_start3A_80 : memref<1x128xi32, #tpu.memory_space<vmem>> -> memref<128xi32, #tpu.memory_space<vmem>>
        %dma_start3A_82 = arith.constant 0 : i32
        %dma_start3A_83 = arith.constant 0 : i32
        %dma_start3A_84 = tpu.memref_slice %arg2[%dma_start3A_82, %dma_start3A_83] : memref<10112x128xf32, #tpu.memory_space<hbm>> -> memref<10112x128xf32, #tpu.memory_space<hbm>>
        tpu.enqueue_indirect_dma source(%dma_start3A_84 : memref<10112x128xf32, #tpu.memory_space<hbm>>) target(%arg11 : memref<128x128xf32, #tpu.memory_space<vmem>>) offsets(%dma_start3A_81 : memref<128xi32, #tpu.memory_space<vmem>>) semaphore(%arg14 : memref<!tpu.dma_semaphore, #tpu.memory_space<semaphore_mem>>)
        %add3A_85 = arith.constant 3 : i32
        %add3A_86 = arith.addi %mul3A_44, %add3A_85 : i32
        %dma_start3A_87 = arith.constant 0 : i32
        %dma_start3A_88 = tpu.memref_slice %arg5[%add3A, %add3A_86, %dma_start3A_87] : memref<32x80x128xi32, #tpu.memory_space<hbm>> -> memref<1x1x128xi32, #tpu.memory_space<hbm>>
        %dma_start3A_89 = tpu.memref_squeeze %dma_start3A_88 : memref<1x1x128xi32, #tpu.memory_space<hbm>> -> memref<128xi32, #tpu.memory_space<hbm>>
        %dma_start3A_90 = arith.constant 0 : i32
        %dma_start3A_91 = tpu.memref_slice %arg5[%add3A, %add3A_86, %dma_start3A_90] : memref<32x80x128xi32, #tpu.memory_space<hbm>> -> memref<1x1x128xi32, #tpu.memory_space<hbm>>
        %dma_start3A_92 = tpu.memref_squeeze %dma_start3A_91 : memref<1x1x128xi32, #tpu.memory_space<hbm>> -> memref<128xi32, #tpu.memory_space<hbm>>
        tpu.enqueue_dma source(%dma_start3A_92 : memref<128xi32, #tpu.memory_space<hbm>>) target(%arg9 : memref<128xi32, #tpu.memory_space<vmem>>) target_semaphore(%arg16 : memref<!tpu.dma_semaphore, #tpu.memory_space<semaphore_mem>>)
      } else {
      }
    }
    %scan3A_36 = arith.constant 40 : i32
    %barrier3A_37 = arith.constant 0 : index
    tpu.barrier barrier_id(%barrier3A_37)
    %mul3A_38 = arith.constant 632 : i32
    %mul3A_39 = arith.muli %arg1, %mul3A_38 : i32
    %mul3A_40 = arith.constant 632 : i32
    %mul3A_41 = arith.muli %arg1, %mul3A_40 : i32
    "tpu.region"() ({
      %run_scoped3A = tpu.sem_alloc : memref<!tpu.dma_semaphore, #tpu.memory_space<semaphore_mem>>
      %dma_start3A_42 = arith.constant 0 : i32
      %dma_start3A_43 = tpu.memref_slice %arg6[%arg0, %mul3A_41, %dma_start3A_42] : memref<2x10112x128xf32, #tpu.memory_space<hbm>> -> memref<1x632x128xf32, #tpu.memory_space<hbm>>
      %dma_start3A_44 = tpu.memref_squeeze %dma_start3A_43 : memref<1x632x128xf32, #tpu.memory_space<hbm>> -> memref<632x128xf32, #tpu.memory_space<hbm>>
      %dma_start3A_45 = arith.constant 0 : i32
      %dma_start3A_46 = tpu.memref_slice %arg12[%mul3A_39, %dma_start3A_45] : memref<10112x128xf32, #tpu.memory_space<vmem_shared>> -> memref<632x128xf32, #tpu.memory_space<vmem_shared>>
      tpu.enqueue_dma source(%dma_start3A_46 : memref<632x128xf32, #tpu.memory_space<vmem_shared>>) target(%dma_start3A_44 : memref<632x128xf32, #tpu.memory_space<hbm>>) target_semaphore(%run_scoped3A : memref<!tpu.dma_semaphore, #tpu.memory_space<semaphore_mem>>)
      %dma_wait3A = arith.constant 0 : i32
      %dma_wait3A_47 = tpu.memref_slice %arg6[%arg0, %mul3A_41, %dma_wait3A] : memref<2x10112x128xf32, #tpu.memory_space<hbm>> -> memref<1x632x128xf32, #tpu.memory_space<hbm>>
      %dma_wait3A_48 = tpu.memref_squeeze %dma_wait3A_47 : memref<1x632x128xf32, #tpu.memory_space<hbm>> -> memref<632x128xf32, #tpu.memory_space<hbm>>
      %dma_wait3A_49 = arith.constant 0 : i32
      %dma_wait3A_50 = tpu.memref_slice %arg12[%mul3A_39, %dma_wait3A_49] : memref<10112x128xf32, #tpu.memory_space<vmem_shared>> -> memref<632x128xf32, #tpu.memory_space<vmem_shared>>
      tpu.wait_dma2 semaphore(%run_scoped3A : memref<!tpu.dma_semaphore, #tpu.memory_space<semaphore_mem>>) src(%dma_wait3A_50 : memref<632x128xf32, #tpu.memory_space<vmem_shared>>) dst(%dma_wait3A_48 : memref<632x128xf32, #tpu.memory_space<hbm>>)
      tpu.yield
    }) : () -> ()
    return
  }
}

#map = affine_map<(d0, d1) -> (0, 0, 0)>
#map1 = affine_map<(d0, d1) -> (0, 0)>
module attributes {stable_mosaic.version = 14 : i64} {
  func.func @_deg_body(%arg0: i32, %arg1: i32, %arg2: memref<32x80x128xi32, #tpu.memory_space<hbm>>, %arg3: memref<128x128xf32, #tpu.memory_space<hbm>>, %arg4: memref<10112x128xf32, #tpu.memory_space<hbm>>, %arg5: memref<2x10112x128xf32, #tpu.memory_space<hbm>>, %arg6: memref<80x128xi32, #tpu.memory_space<vmem>>, %arg7: memref<128x128xf32, #tpu.memory_space<vmem>>, %arg8: memref<10112x128xf32, #tpu.memory_space<vmem_shared>>, %arg9: memref<!tpu.dma_semaphore, #tpu.memory_space<semaphore_mem>>) attributes {dimension_semantics = [#tpu.dimension_semantics<core_parallel>, #tpu.dimension_semantics<subcore_parallel>], iteration_bounds = array<i64: 2, 16>, scalar_prefetch = 0 : i64, scratch_operands = 4 : i64, tpu.core_type = #tpu.core_type<sc_vector_subcore>, window_params = [{transform_indices = #map}, {transform_indices = #map1}, {transform_indices = #map1}, {transform_indices = #map}]} {
    %mul3A = arith.constant 16 : i32
    %mul3A_0 = arith.muli %arg0, %mul3A : i32
    %add3A = arith.addi %mul3A_0, %arg1 : i32
    "tpu.region"() ({
      %run_scoped3A = tpu.sem_alloc : memref<!tpu.dma_semaphore, #tpu.memory_space<semaphore_mem>>
      tpu.enqueue_dma source(%arg3 : memref<128x128xf32, #tpu.memory_space<hbm>>) target(%arg7 : memref<128x128xf32, #tpu.memory_space<vmem>>) target_semaphore(%run_scoped3A : memref<!tpu.dma_semaphore, #tpu.memory_space<semaphore_mem>>)
      tpu.wait_dma2 semaphore(%run_scoped3A : memref<!tpu.dma_semaphore, #tpu.memory_space<semaphore_mem>>) src(%arg3 : memref<128x128xf32, #tpu.memory_space<hbm>>) dst(%arg7 : memref<128x128xf32, #tpu.memory_space<vmem>>)
      tpu.yield
    }) : () -> ()
    "tpu.region"() ({
      %run_scoped3A = tpu.sem_alloc : memref<!tpu.dma_semaphore, #tpu.memory_space<semaphore_mem>>
      %dma_start3A_42 = arith.constant 0 : i32
      %dma_start3A_43 = arith.constant 0 : i32
      %dma_start3A_44 = tpu.memref_slice %arg2[%add3A, %dma_start3A_42, %dma_start3A_43] : memref<32x80x128xi32, #tpu.memory_space<hbm>> -> memref<1x80x128xi32, #tpu.memory_space<hbm>>
      %dma_start3A_45 = tpu.memref_squeeze %dma_start3A_44 : memref<1x80x128xi32, #tpu.memory_space<hbm>> -> memref<80x128xi32, #tpu.memory_space<hbm>>
      %dma_start3A_46 = arith.constant 0 : i32
      %dma_start3A_47 = arith.constant 0 : i32
      %dma_start3A_48 = tpu.memref_slice %arg2[%add3A, %dma_start3A_46, %dma_start3A_47] : memref<32x80x128xi32, #tpu.memory_space<hbm>> -> memref<1x80x128xi32, #tpu.memory_space<hbm>>
      %dma_start3A_49 = tpu.memref_squeeze %dma_start3A_48 : memref<1x80x128xi32, #tpu.memory_space<hbm>> -> memref<80x128xi32, #tpu.memory_space<hbm>>
      tpu.enqueue_dma source(%dma_start3A_49 : memref<80x128xi32, #tpu.memory_space<hbm>>) target(%arg6 : memref<80x128xi32, #tpu.memory_space<vmem>>) target_semaphore(%run_scoped3A : memref<!tpu.dma_semaphore, #tpu.memory_space<semaphore_mem>>)
      %dma_wait3A = arith.constant 0 : i32
      %dma_wait3A_50 = arith.constant 0 : i32
      %dma_wait3A_51 = tpu.memref_slice %arg2[%add3A, %dma_wait3A, %dma_wait3A_50] : memref<32x80x128xi32, #tpu.memory_space<hbm>> -> memref<1x80x128xi32, #tpu.memory_space<hbm>>
      %dma_wait3A_52 = tpu.memref_squeeze %dma_wait3A_51 : memref<1x80x128xi32, #tpu.memory_space<hbm>> -> memref<80x128xi32, #tpu.memory_space<hbm>>
      %dma_wait3A_53 = arith.constant 0 : i32
      %dma_wait3A_54 = arith.constant 0 : i32
      %dma_wait3A_55 = tpu.memref_slice %arg2[%add3A, %dma_wait3A_53, %dma_wait3A_54] : memref<32x80x128xi32, #tpu.memory_space<hbm>> -> memref<1x80x128xi32, #tpu.memory_space<hbm>>
      %dma_wait3A_56 = tpu.memref_squeeze %dma_wait3A_55 : memref<1x80x128xi32, #tpu.memory_space<hbm>> -> memref<80x128xi32, #tpu.memory_space<hbm>>
      tpu.wait_dma2 semaphore(%run_scoped3A : memref<!tpu.dma_semaphore, #tpu.memory_space<semaphore_mem>>) src(%dma_wait3A_56 : memref<80x128xi32, #tpu.memory_space<hbm>>) dst(%arg6 : memref<80x128xi32, #tpu.memory_space<vmem>>)
      tpu.yield
    }) : () -> ()
    %mul3A_1 = arith.constant 632 : i32
    %mul3A_2 = arith.muli %arg1, %mul3A_1 : i32
    %mul3A_3 = arith.constant 632 : i32
    %mul3A_4 = arith.muli %arg1, %mul3A_3 : i32
    "tpu.region"() ({
      %run_scoped3A = tpu.sem_alloc : memref<!tpu.dma_semaphore, #tpu.memory_space<semaphore_mem>>
      %dma_start3A_42 = arith.constant 0 : i32
      %dma_start3A_43 = tpu.memref_slice %arg8[%mul3A_4, %dma_start3A_42] : memref<10112x128xf32, #tpu.memory_space<vmem_shared>> -> memref<632x128xf32, #tpu.memory_space<vmem_shared>>
      %dma_start3A_44 = arith.constant 0 : i32
      %dma_start3A_45 = tpu.memref_slice %arg4[%mul3A_2, %dma_start3A_44] : memref<10112x128xf32, #tpu.memory_space<hbm>> -> memref<632x128xf32, #tpu.memory_space<hbm>>
      tpu.enqueue_dma source(%dma_start3A_45 : memref<632x128xf32, #tpu.memory_space<hbm>>) target(%dma_start3A_43 : memref<632x128xf32, #tpu.memory_space<vmem_shared>>) target_semaphore(%run_scoped3A : memref<!tpu.dma_semaphore, #tpu.memory_space<semaphore_mem>>)
      %dma_wait3A = arith.constant 0 : i32
      %dma_wait3A_46 = tpu.memref_slice %arg8[%mul3A_4, %dma_wait3A] : memref<10112x128xf32, #tpu.memory_space<vmem_shared>> -> memref<632x128xf32, #tpu.memory_space<vmem_shared>>
      %dma_wait3A_47 = arith.constant 0 : i32
      %dma_wait3A_48 = tpu.memref_slice %arg4[%mul3A_2, %dma_wait3A_47] : memref<10112x128xf32, #tpu.memory_space<hbm>> -> memref<632x128xf32, #tpu.memory_space<hbm>>
      tpu.wait_dma2 semaphore(%run_scoped3A : memref<!tpu.dma_semaphore, #tpu.memory_space<semaphore_mem>>) src(%dma_wait3A_48 : memref<632x128xf32, #tpu.memory_space<hbm>>) dst(%dma_wait3A_46 : memref<632x128xf32, #tpu.memory_space<vmem_shared>>)
      tpu.yield
    }) : () -> ()
    %barrier3A = arith.constant 0 : index
    tpu.barrier barrier_id(%barrier3A)
    %dma_start3A = arith.constant 0 : i32
    %dma_start3A_5 = arith.constant 0 : i32
    %dma_start3A_6 = tpu.memref_slice %arg6[%dma_start3A, %dma_start3A_5] : memref<80x128xi32, #tpu.memory_space<vmem>> -> memref<1x128xi32, #tpu.memory_space<vmem>>
    %dma_start3A_7 = tpu.memref_squeeze %dma_start3A_6 : memref<1x128xi32, #tpu.memory_space<vmem>> -> memref<128xi32, #tpu.memory_space<vmem>>
    %dma_start3A_8 = arith.constant 0 : i32
    %dma_start3A_9 = arith.constant 0 : i32
    %dma_start3A_10 = tpu.memref_slice %arg8[%dma_start3A_8, %dma_start3A_9] : memref<10112x128xf32, #tpu.memory_space<vmem_shared>> -> memref<10112x128xf32, #tpu.memory_space<vmem_shared>>
    tpu.enqueue_indirect_dma source(%arg7 : memref<128x128xf32, #tpu.memory_space<vmem>>) target(%dma_start3A_10 : memref<10112x128xf32, #tpu.memory_space<vmem_shared>>) offsets(%dma_start3A_7 : memref<128xi32, #tpu.memory_space<vmem>>) semaphore(%arg9 : memref<!tpu.dma_semaphore, #tpu.memory_space<semaphore_mem>>) {add = true}
    %dma_start3A_11 = arith.constant 1 : i32
    %dma_start3A_12 = arith.constant 0 : i32
    %dma_start3A_13 = tpu.memref_slice %arg6[%dma_start3A_11, %dma_start3A_12] : memref<80x128xi32, #tpu.memory_space<vmem>> -> memref<1x128xi32, #tpu.memory_space<vmem>>
    %dma_start3A_14 = tpu.memref_squeeze %dma_start3A_13 : memref<1x128xi32, #tpu.memory_space<vmem>> -> memref<128xi32, #tpu.memory_space<vmem>>
    %dma_start3A_15 = arith.constant 0 : i32
    %dma_start3A_16 = arith.constant 0 : i32
    %dma_start3A_17 = tpu.memref_slice %arg8[%dma_start3A_15, %dma_start3A_16] : memref<10112x128xf32, #tpu.memory_space<vmem_shared>> -> memref<10112x128xf32, #tpu.memory_space<vmem_shared>>
    tpu.enqueue_indirect_dma source(%arg7 : memref<128x128xf32, #tpu.memory_space<vmem>>) target(%dma_start3A_17 : memref<10112x128xf32, #tpu.memory_space<vmem_shared>>) offsets(%dma_start3A_14 : memref<128xi32, #tpu.memory_space<vmem>>) semaphore(%arg9 : memref<!tpu.dma_semaphore, #tpu.memory_space<semaphore_mem>>) {add = true}
    %dma_start3A_18 = arith.constant 2 : i32
    %dma_start3A_19 = arith.constant 0 : i32
    %dma_start3A_20 = tpu.memref_slice %arg6[%dma_start3A_18, %dma_start3A_19] : memref<80x128xi32, #tpu.memory_space<vmem>> -> memref<1x128xi32, #tpu.memory_space<vmem>>
    %dma_start3A_21 = tpu.memref_squeeze %dma_start3A_20 : memref<1x128xi32, #tpu.memory_space<vmem>> -> memref<128xi32, #tpu.memory_space<vmem>>
    %dma_start3A_22 = arith.constant 0 : i32
    %dma_start3A_23 = arith.constant 0 : i32
    %dma_start3A_24 = tpu.memref_slice %arg8[%dma_start3A_22, %dma_start3A_23] : memref<10112x128xf32, #tpu.memory_space<vmem_shared>> -> memref<10112x128xf32, #tpu.memory_space<vmem_shared>>
    tpu.enqueue_indirect_dma source(%arg7 : memref<128x128xf32, #tpu.memory_space<vmem>>) target(%dma_start3A_24 : memref<10112x128xf32, #tpu.memory_space<vmem_shared>>) offsets(%dma_start3A_21 : memref<128xi32, #tpu.memory_space<vmem>>) semaphore(%arg9 : memref<!tpu.dma_semaphore, #tpu.memory_space<semaphore_mem>>) {add = true}
    %dma_start3A_25 = arith.constant 3 : i32
    %dma_start3A_26 = arith.constant 0 : i32
    %dma_start3A_27 = tpu.memref_slice %arg6[%dma_start3A_25, %dma_start3A_26] : memref<80x128xi32, #tpu.memory_space<vmem>> -> memref<1x128xi32, #tpu.memory_space<vmem>>
    %dma_start3A_28 = tpu.memref_squeeze %dma_start3A_27 : memref<1x128xi32, #tpu.memory_space<vmem>> -> memref<128xi32, #tpu.memory_space<vmem>>
    %dma_start3A_29 = arith.constant 0 : i32
    %dma_start3A_30 = arith.constant 0 : i32
    %dma_start3A_31 = tpu.memref_slice %arg8[%dma_start3A_29, %dma_start3A_30] : memref<10112x128xf32, #tpu.memory_space<vmem_shared>> -> memref<10112x128xf32, #tpu.memory_space<vmem_shared>>
    tpu.enqueue_indirect_dma source(%arg7 : memref<128x128xf32, #tpu.memory_space<vmem>>) target(%dma_start3A_31 : memref<10112x128xf32, #tpu.memory_space<vmem_shared>>) offsets(%dma_start3A_28 : memref<128xi32, #tpu.memory_space<vmem>>) semaphore(%arg9 : memref<!tpu.dma_semaphore, #tpu.memory_space<semaphore_mem>>) {add = true}
    %scan3A = arith.constant 0 : i32
    %scan3A_32 = arith.constant 0 : i32
    %scan3A_33 = arith.constant 20 : i32
    %scan3A_34 = arith.addi %scan3A_32, %scan3A_33 : i32
    %scan3A_35 = arith.constant 1 : i32
    scf.for %scan3A_42 = %scan3A_32 to %scan3A_34 step %scan3A_35  : i32 {
      %mul3A_43 = arith.constant 4 : i32
      %mul3A_44 = arith.muli %mul3A_43, %scan3A_42 : i32
      %add3A_45 = arith.constant 0 : i32
      %add3A_46 = arith.addi %mul3A_44, %add3A_45 : i32
      %dma_wait3A = arith.constant 0 : i32
      %dma_wait3A_47 = tpu.memref_slice %arg6[%add3A_46, %dma_wait3A] : memref<80x128xi32, #tpu.memory_space<vmem>> -> memref<1x128xi32, #tpu.memory_space<vmem>>
      %dma_wait3A_48 = tpu.memref_squeeze %dma_wait3A_47 : memref<1x128xi32, #tpu.memory_space<vmem>> -> memref<128xi32, #tpu.memory_space<vmem>>
      %dma_wait3A_49 = arith.constant 0 : i32
      %dma_wait3A_50 = arith.constant 0 : i32
      %dma_wait3A_51 = tpu.memref_slice %arg8[%dma_wait3A_49, %dma_wait3A_50] : memref<10112x128xf32, #tpu.memory_space<vmem_shared>> -> memref<10112x128xf32, #tpu.memory_space<vmem_shared>>
      tpu.wait_indirect_dma semaphore(%arg9 : memref<!tpu.dma_semaphore, #tpu.memory_space<semaphore_mem>>) src(%arg7 : memref<128x128xf32, #tpu.memory_space<vmem>>) dst(%dma_wait3A_51 : memref<10112x128xf32, #tpu.memory_space<vmem_shared>>)
      %lt3A = arith.constant 19 : i32
      %lt3A_52 = arith.cmpi slt, %scan3A_42, %lt3A : i32
      %convert_element_type3A = arith.extui %lt3A_52 : i1 to i32
      %cond3A = arith.constant 0 : i32
      %cond3A_53 = arith.cmpi ne, %convert_element_type3A, %cond3A : i32
      scf.if %cond3A_53 {
        %add3A_93 = arith.constant 0 : i32
        %add3A_94 = arith.addi %mul3A_44, %add3A_93 : i32
        %add3A_95 = arith.constant 4 : i32
        %add3A_96 = arith.addi %add3A_94, %add3A_95 : i32
        %dma_start3A_97 = arith.constant 0 : i32
        %dma_start3A_98 = tpu.memref_slice %arg6[%add3A_96, %dma_start3A_97] : memref<80x128xi32, #tpu.memory_space<vmem>> -> memref<1x128xi32, #tpu.memory_space<vmem>>
        %dma_start3A_99 = tpu.memref_squeeze %dma_start3A_98 : memref<1x128xi32, #tpu.memory_space<vmem>> -> memref<128xi32, #tpu.memory_space<vmem>>
        %dma_start3A_100 = arith.constant 0 : i32
        %dma_start3A_101 = arith.constant 0 : i32
        %dma_start3A_102 = tpu.memref_slice %arg8[%dma_start3A_100, %dma_start3A_101] : memref<10112x128xf32, #tpu.memory_space<vmem_shared>> -> memref<10112x128xf32, #tpu.memory_space<vmem_shared>>
        tpu.enqueue_indirect_dma source(%arg7 : memref<128x128xf32, #tpu.memory_space<vmem>>) target(%dma_start3A_102 : memref<10112x128xf32, #tpu.memory_space<vmem_shared>>) offsets(%dma_start3A_99 : memref<128xi32, #tpu.memory_space<vmem>>) semaphore(%arg9 : memref<!tpu.dma_semaphore, #tpu.memory_space<semaphore_mem>>) {add = true}
      } else {
      }
      %add3A_54 = arith.constant 1 : i32
      %add3A_55 = arith.addi %mul3A_44, %add3A_54 : i32
      %dma_wait3A_56 = arith.constant 0 : i32
      %dma_wait3A_57 = tpu.memref_slice %arg6[%add3A_55, %dma_wait3A_56] : memref<80x128xi32, #tpu.memory_space<vmem>> -> memref<1x128xi32, #tpu.memory_space<vmem>>
      %dma_wait3A_58 = tpu.memref_squeeze %dma_wait3A_57 : memref<1x128xi32, #tpu.memory_space<vmem>> -> memref<128xi32, #tpu.memory_space<vmem>>
      %dma_wait3A_59 = arith.constant 0 : i32
      %dma_wait3A_60 = arith.constant 0 : i32
      %dma_wait3A_61 = tpu.memref_slice %arg8[%dma_wait3A_59, %dma_wait3A_60] : memref<10112x128xf32, #tpu.memory_space<vmem_shared>> -> memref<10112x128xf32, #tpu.memory_space<vmem_shared>>
      tpu.wait_indirect_dma semaphore(%arg9 : memref<!tpu.dma_semaphore, #tpu.memory_space<semaphore_mem>>) src(%arg7 : memref<128x128xf32, #tpu.memory_space<vmem>>) dst(%dma_wait3A_61 : memref<10112x128xf32, #tpu.memory_space<vmem_shared>>)
      %lt3A_62 = arith.constant 19 : i32
      %lt3A_63 = arith.cmpi slt, %scan3A_42, %lt3A_62 : i32
      %convert_element_type3A_64 = arith.extui %lt3A_63 : i1 to i32
      %cond3A_65 = arith.constant 0 : i32
      %cond3A_66 = arith.cmpi ne, %convert_element_type3A_64, %cond3A_65 : i32
      scf.if %cond3A_66 {
        %add3A_93 = arith.constant 1 : i32
        %add3A_94 = arith.addi %mul3A_44, %add3A_93 : i32
        %add3A_95 = arith.constant 4 : i32
        %add3A_96 = arith.addi %add3A_94, %add3A_95 : i32
        %dma_start3A_97 = arith.constant 0 : i32
        %dma_start3A_98 = tpu.memref_slice %arg6[%add3A_96, %dma_start3A_97] : memref<80x128xi32, #tpu.memory_space<vmem>> -> memref<1x128xi32, #tpu.memory_space<vmem>>
        %dma_start3A_99 = tpu.memref_squeeze %dma_start3A_98 : memref<1x128xi32, #tpu.memory_space<vmem>> -> memref<128xi32, #tpu.memory_space<vmem>>
        %dma_start3A_100 = arith.constant 0 : i32
        %dma_start3A_101 = arith.constant 0 : i32
        %dma_start3A_102 = tpu.memref_slice %arg8[%dma_start3A_100, %dma_start3A_101] : memref<10112x128xf32, #tpu.memory_space<vmem_shared>> -> memref<10112x128xf32, #tpu.memory_space<vmem_shared>>
        tpu.enqueue_indirect_dma source(%arg7 : memref<128x128xf32, #tpu.memory_space<vmem>>) target(%dma_start3A_102 : memref<10112x128xf32, #tpu.memory_space<vmem_shared>>) offsets(%dma_start3A_99 : memref<128xi32, #tpu.memory_space<vmem>>) semaphore(%arg9 : memref<!tpu.dma_semaphore, #tpu.memory_space<semaphore_mem>>) {add = true}
      } else {
      }
      %add3A_67 = arith.constant 2 : i32
      %add3A_68 = arith.addi %mul3A_44, %add3A_67 : i32
      %dma_wait3A_69 = arith.constant 0 : i32
      %dma_wait3A_70 = tpu.memref_slice %arg6[%add3A_68, %dma_wait3A_69] : memref<80x128xi32, #tpu.memory_space<vmem>> -> memref<1x128xi32, #tpu.memory_space<vmem>>
      %dma_wait3A_71 = tpu.memref_squeeze %dma_wait3A_70 : memref<1x128xi32, #tpu.memory_space<vmem>> -> memref<128xi32, #tpu.memory_space<vmem>>
      %dma_wait3A_72 = arith.constant 0 : i32
      %dma_wait3A_73 = arith.constant 0 : i32
      %dma_wait3A_74 = tpu.memref_slice %arg8[%dma_wait3A_72, %dma_wait3A_73] : memref<10112x128xf32, #tpu.memory_space<vmem_shared>> -> memref<10112x128xf32, #tpu.memory_space<vmem_shared>>
      tpu.wait_indirect_dma semaphore(%arg9 : memref<!tpu.dma_semaphore, #tpu.memory_space<semaphore_mem>>) src(%arg7 : memref<128x128xf32, #tpu.memory_space<vmem>>) dst(%dma_wait3A_74 : memref<10112x128xf32, #tpu.memory_space<vmem_shared>>)
      %lt3A_75 = arith.constant 19 : i32
      %lt3A_76 = arith.cmpi slt, %scan3A_42, %lt3A_75 : i32
      %convert_element_type3A_77 = arith.extui %lt3A_76 : i1 to i32
      %cond3A_78 = arith.constant 0 : i32
      %cond3A_79 = arith.cmpi ne, %convert_element_type3A_77, %cond3A_78 : i32
      scf.if %cond3A_79 {
        %add3A_93 = arith.constant 2 : i32
        %add3A_94 = arith.addi %mul3A_44, %add3A_93 : i32
        %add3A_95 = arith.constant 4 : i32
        %add3A_96 = arith.addi %add3A_94, %add3A_95 : i32
        %dma_start3A_97 = arith.constant 0 : i32
        %dma_start3A_98 = tpu.memref_slice %arg6[%add3A_96, %dma_start3A_97] : memref<80x128xi32, #tpu.memory_space<vmem>> -> memref<1x128xi32, #tpu.memory_space<vmem>>
        %dma_start3A_99 = tpu.memref_squeeze %dma_start3A_98 : memref<1x128xi32, #tpu.memory_space<vmem>> -> memref<128xi32, #tpu.memory_space<vmem>>
        %dma_start3A_100 = arith.constant 0 : i32
        %dma_start3A_101 = arith.constant 0 : i32
        %dma_start3A_102 = tpu.memref_slice %arg8[%dma_start3A_100, %dma_start3A_101] : memref<10112x128xf32, #tpu.memory_space<vmem_shared>> -> memref<10112x128xf32, #tpu.memory_space<vmem_shared>>
        tpu.enqueue_indirect_dma source(%arg7 : memref<128x128xf32, #tpu.memory_space<vmem>>) target(%dma_start3A_102 : memref<10112x128xf32, #tpu.memory_space<vmem_shared>>) offsets(%dma_start3A_99 : memref<128xi32, #tpu.memory_space<vmem>>) semaphore(%arg9 : memref<!tpu.dma_semaphore, #tpu.memory_space<semaphore_mem>>) {add = true}
      } else {
      }
      %add3A_80 = arith.constant 3 : i32
      %add3A_81 = arith.addi %mul3A_44, %add3A_80 : i32
      %dma_wait3A_82 = arith.constant 0 : i32
      %dma_wait3A_83 = tpu.memref_slice %arg6[%add3A_81, %dma_wait3A_82] : memref<80x128xi32, #tpu.memory_space<vmem>> -> memref<1x128xi32, #tpu.memory_space<vmem>>
      %dma_wait3A_84 = tpu.memref_squeeze %dma_wait3A_83 : memref<1x128xi32, #tpu.memory_space<vmem>> -> memref<128xi32, #tpu.memory_space<vmem>>
      %dma_wait3A_85 = arith.constant 0 : i32
      %dma_wait3A_86 = arith.constant 0 : i32
      %dma_wait3A_87 = tpu.memref_slice %arg8[%dma_wait3A_85, %dma_wait3A_86] : memref<10112x128xf32, #tpu.memory_space<vmem_shared>> -> memref<10112x128xf32, #tpu.memory_space<vmem_shared>>
      tpu.wait_indirect_dma semaphore(%arg9 : memref<!tpu.dma_semaphore, #tpu.memory_space<semaphore_mem>>) src(%arg7 : memref<128x128xf32, #tpu.memory_space<vmem>>) dst(%dma_wait3A_87 : memref<10112x128xf32, #tpu.memory_space<vmem_shared>>)
      %lt3A_88 = arith.constant 19 : i32
      %lt3A_89 = arith.cmpi slt, %scan3A_42, %lt3A_88 : i32
      %convert_element_type3A_90 = arith.extui %lt3A_89 : i1 to i32
      %cond3A_91 = arith.constant 0 : i32
      %cond3A_92 = arith.cmpi ne, %convert_element_type3A_90, %cond3A_91 : i32
      scf.if %cond3A_92 {
        %add3A_93 = arith.constant 3 : i32
        %add3A_94 = arith.addi %mul3A_44, %add3A_93 : i32
        %add3A_95 = arith.constant 4 : i32
        %add3A_96 = arith.addi %add3A_94, %add3A_95 : i32
        %dma_start3A_97 = arith.constant 0 : i32
        %dma_start3A_98 = tpu.memref_slice %arg6[%add3A_96, %dma_start3A_97] : memref<80x128xi32, #tpu.memory_space<vmem>> -> memref<1x128xi32, #tpu.memory_space<vmem>>
        %dma_start3A_99 = tpu.memref_squeeze %dma_start3A_98 : memref<1x128xi32, #tpu.memory_space<vmem>> -> memref<128xi32, #tpu.memory_space<vmem>>
        %dma_start3A_100 = arith.constant 0 : i32
        %dma_start3A_101 = arith.constant 0 : i32
        %dma_start3A_102 = tpu.memref_slice %arg8[%dma_start3A_100, %dma_start3A_101] : memref<10112x128xf32, #tpu.memory_space<vmem_shared>> -> memref<10112x128xf32, #tpu.memory_space<vmem_shared>>
        tpu.enqueue_indirect_dma source(%arg7 : memref<128x128xf32, #tpu.memory_space<vmem>>) target(%dma_start3A_102 : memref<10112x128xf32, #tpu.memory_space<vmem_shared>>) offsets(%dma_start3A_99 : memref<128xi32, #tpu.memory_space<vmem>>) semaphore(%arg9 : memref<!tpu.dma_semaphore, #tpu.memory_space<semaphore_mem>>) {add = true}
      } else {
      }
    }
    %scan3A_36 = arith.constant 20 : i32
    %barrier3A_37 = arith.constant 0 : index
    tpu.barrier barrier_id(%barrier3A_37)
    %mul3A_38 = arith.constant 632 : i32
    %mul3A_39 = arith.muli %arg1, %mul3A_38 : i32
    %mul3A_40 = arith.constant 632 : i32
    %mul3A_41 = arith.muli %arg1, %mul3A_40 : i32
    "tpu.region"() ({
      %run_scoped3A = tpu.sem_alloc : memref<!tpu.dma_semaphore, #tpu.memory_space<semaphore_mem>>
      %dma_start3A_42 = arith.constant 0 : i32
      %dma_start3A_43 = tpu.memref_slice %arg5[%arg0, %mul3A_41, %dma_start3A_42] : memref<2x10112x128xf32, #tpu.memory_space<hbm>> -> memref<1x632x128xf32, #tpu.memory_space<hbm>>
      %dma_start3A_44 = tpu.memref_squeeze %dma_start3A_43 : memref<1x632x128xf32, #tpu.memory_space<hbm>> -> memref<632x128xf32, #tpu.memory_space<hbm>>
      %dma_start3A_45 = arith.constant 0 : i32
      %dma_start3A_46 = tpu.memref_slice %arg8[%mul3A_39, %dma_start3A_45] : memref<10112x128xf32, #tpu.memory_space<vmem_shared>> -> memref<632x128xf32, #tpu.memory_space<vmem_shared>>
      tpu.enqueue_dma source(%dma_start3A_46 : memref<632x128xf32, #tpu.memory_space<vmem_shared>>) target(%dma_start3A_44 : memref<632x128xf32, #tpu.memory_space<hbm>>) target_semaphore(%run_scoped3A : memref<!tpu.dma_semaphore, #tpu.memory_space<semaphore_mem>>)
      %dma_wait3A = arith.constant 0 : i32
      %dma_wait3A_47 = tpu.memref_slice %arg5[%arg0, %mul3A_41, %dma_wait3A] : memref<2x10112x128xf32, #tpu.memory_space<hbm>> -> memref<1x632x128xf32, #tpu.memory_space<hbm>>
      %dma_wait3A_48 = tpu.memref_squeeze %dma_wait3A_47 : memref<1x632x128xf32, #tpu.memory_space<hbm>> -> memref<632x128xf32, #tpu.memory_space<hbm>>
      %dma_wait3A_49 = arith.constant 0 : i32
      %dma_wait3A_50 = tpu.memref_slice %arg8[%mul3A_39, %dma_wait3A_49] : memref<10112x128xf32, #tpu.memory_space<vmem_shared>> -> memref<632x128xf32, #tpu.memory_space<vmem_shared>>
      tpu.wait_dma2 semaphore(%run_scoped3A : memref<!tpu.dma_semaphore, #tpu.memory_space<semaphore_mem>>) src(%dma_wait3A_50 : memref<632x128xf32, #tpu.memory_space<vmem_shared>>) dst(%dma_wait3A_48 : memref<632x128xf32, #tpu.memory_space<hbm>>)
      tpu.yield
    }) : () -> ()
    return
  }
}

#map = affine_map<(d0, d1) -> (0, 0)>
#map1 = affine_map<(d0, d1) -> (0, 0, 0)>
module attributes {stable_mosaic.version = 14 : i64} {
  func.func @_agg_body(%arg0: i32, %arg1: i32, %arg2: memref<10112x128xf32, #tpu.memory_space<hbm>>, %arg3: memref<10112x128xf32, #tpu.memory_space<hbm>>, %arg4: memref<32x80x128xi32, #tpu.memory_space<hbm>>, %arg5: memref<32x80x128xi32, #tpu.memory_space<hbm>>, %arg6: memref<2x10112x128xf32, #tpu.memory_space<hbm>>, %arg7: memref<80x128xi32, #tpu.memory_space<vmem>>, %arg8: memref<128xi32, #tpu.memory_space<vmem>>, %arg9: memref<128xi32, #tpu.memory_space<vmem>>, %arg10: memref<128x128xf32, #tpu.memory_space<vmem>>, %arg11: memref<128x128xf32, #tpu.memory_space<vmem>>, %arg12: memref<10112x128xf32, #tpu.memory_space<vmem_shared>>, %arg13: memref<!tpu.dma_semaphore, #tpu.memory_space<semaphore_mem>>, %arg14: memref<!tpu.dma_semaphore, #tpu.memory_space<semaphore_mem>>, %arg15: memref<!tpu.dma_semaphore, #tpu.memory_space<semaphore_mem>>, %arg16: memref<!tpu.dma_semaphore, #tpu.memory_space<semaphore_mem>>) attributes {dimension_semantics = [#tpu.dimension_semantics<core_parallel>, #tpu.dimension_semantics<subcore_parallel>], iteration_bounds = array<i64: 2, 16>, scalar_prefetch = 0 : i64, scratch_operands = 10 : i64, tpu.core_type = #tpu.core_type<sc_vector_subcore>, window_params = [{transform_indices = #map}, {transform_indices = #map}, {transform_indices = #map1}, {transform_indices = #map1}, {transform_indices = #map1}]} {
    %mul3A = arith.constant 16 : i32
    %mul3A_0 = arith.muli %arg0, %mul3A : i32
    %add3A = arith.addi %mul3A_0, %arg1 : i32
    "tpu.region"() ({
      %run_scoped3A = tpu.sem_alloc : memref<!tpu.dma_semaphore, #tpu.memory_space<semaphore_mem>>
      %dma_start3A_42 = arith.constant 0 : i32
      %dma_start3A_43 = arith.constant 0 : i32
      %dma_start3A_44 = tpu.memref_slice %arg4[%add3A, %dma_start3A_42, %dma_start3A_43] : memref<32x80x128xi32, #tpu.memory_space<hbm>> -> memref<1x80x128xi32, #tpu.memory_space<hbm>>
      %dma_start3A_45 = tpu.memref_squeeze %dma_start3A_44 : memref<1x80x128xi32, #tpu.memory_space<hbm>> -> memref<80x128xi32, #tpu.memory_space<hbm>>
      %dma_start3A_46 = arith.constant 0 : i32
      %dma_start3A_47 = arith.constant 0 : i32
      %dma_start3A_48 = tpu.memref_slice %arg4[%add3A, %dma_start3A_46, %dma_start3A_47] : memref<32x80x128xi32, #tpu.memory_space<hbm>> -> memref<1x80x128xi32, #tpu.memory_space<hbm>>
      %dma_start3A_49 = tpu.memref_squeeze %dma_start3A_48 : memref<1x80x128xi32, #tpu.memory_space<hbm>> -> memref<80x128xi32, #tpu.memory_space<hbm>>
      tpu.enqueue_dma source(%dma_start3A_49 : memref<80x128xi32, #tpu.memory_space<hbm>>) target(%arg7 : memref<80x128xi32, #tpu.memory_space<vmem>>) target_semaphore(%run_scoped3A : memref<!tpu.dma_semaphore, #tpu.memory_space<semaphore_mem>>)
      %dma_wait3A = arith.constant 0 : i32
      %dma_wait3A_50 = arith.constant 0 : i32
      %dma_wait3A_51 = tpu.memref_slice %arg4[%add3A, %dma_wait3A, %dma_wait3A_50] : memref<32x80x128xi32, #tpu.memory_space<hbm>> -> memref<1x80x128xi32, #tpu.memory_space<hbm>>
      %dma_wait3A_52 = tpu.memref_squeeze %dma_wait3A_51 : memref<1x80x128xi32, #tpu.memory_space<hbm>> -> memref<80x128xi32, #tpu.memory_space<hbm>>
      %dma_wait3A_53 = arith.constant 0 : i32
      %dma_wait3A_54 = arith.constant 0 : i32
      %dma_wait3A_55 = tpu.memref_slice %arg4[%add3A, %dma_wait3A_53, %dma_wait3A_54] : memref<32x80x128xi32, #tpu.memory_space<hbm>> -> memref<1x80x128xi32, #tpu.memory_space<hbm>>
      %dma_wait3A_56 = tpu.memref_squeeze %dma_wait3A_55 : memref<1x80x128xi32, #tpu.memory_space<hbm>> -> memref<80x128xi32, #tpu.memory_space<hbm>>
      tpu.wait_dma2 semaphore(%run_scoped3A : memref<!tpu.dma_semaphore, #tpu.memory_space<semaphore_mem>>) src(%dma_wait3A_56 : memref<80x128xi32, #tpu.memory_space<hbm>>) dst(%arg7 : memref<80x128xi32, #tpu.memory_space<vmem>>)
      tpu.yield
    }) : () -> ()
    %dma_start3A = arith.constant 0 : i32
    %dma_start3A_1 = arith.constant 0 : i32
    %dma_start3A_2 = tpu.memref_slice %arg5[%add3A, %dma_start3A, %dma_start3A_1] : memref<32x80x128xi32, #tpu.memory_space<hbm>> -> memref<1x1x128xi32, #tpu.memory_space<hbm>>
    %dma_start3A_3 = tpu.memref_squeeze %dma_start3A_2 : memref<1x1x128xi32, #tpu.memory_space<hbm>> -> memref<128xi32, #tpu.memory_space<hbm>>
    %dma_start3A_4 = arith.constant 0 : i32
    %dma_start3A_5 = tpu.memref_slice %arg5[%add3A, %dma_start3A, %dma_start3A_4] : memref<32x80x128xi32, #tpu.memory_space<hbm>> -> memref<1x1x128xi32, #tpu.memory_space<hbm>>
    %dma_start3A_6 = tpu.memref_squeeze %dma_start3A_5 : memref<1x1x128xi32, #tpu.memory_space<hbm>> -> memref<128xi32, #tpu.memory_space<hbm>>
    tpu.enqueue_dma source(%dma_start3A_6 : memref<128xi32, #tpu.memory_space<hbm>>) target(%arg8 : memref<128xi32, #tpu.memory_space<vmem>>) target_semaphore(%arg15 : memref<!tpu.dma_semaphore, #tpu.memory_space<semaphore_mem>>)
    %dma_start3A_7 = arith.constant 1 : i32
    %dma_start3A_8 = arith.constant 0 : i32
    %dma_start3A_9 = tpu.memref_slice %arg5[%add3A, %dma_start3A_7, %dma_start3A_8] : memref<32x80x128xi32, #tpu.memory_space<hbm>> -> memref<1x1x128xi32, #tpu.memory_space<hbm>>
    %dma_start3A_10 = tpu.memref_squeeze %dma_start3A_9 : memref<1x1x128xi32, #tpu.memory_space<hbm>> -> memref<128xi32, #tpu.memory_space<hbm>>
    %dma_start3A_11 = arith.constant 0 : i32
    %dma_start3A_12 = tpu.memref_slice %arg5[%add3A, %dma_start3A_7, %dma_start3A_11] : memref<32x80x128xi32, #tpu.memory_space<hbm>> -> memref<1x1x128xi32, #tpu.memory_space<hbm>>
    %dma_start3A_13 = tpu.memref_squeeze %dma_start3A_12 : memref<1x1x128xi32, #tpu.memory_space<hbm>> -> memref<128xi32, #tpu.memory_space<hbm>>
    tpu.enqueue_dma source(%dma_start3A_13 : memref<128xi32, #tpu.memory_space<hbm>>) target(%arg9 : memref<128xi32, #tpu.memory_space<vmem>>) target_semaphore(%arg16 : memref<!tpu.dma_semaphore, #tpu.memory_space<semaphore_mem>>)
    %dma_start3A_14 = arith.constant 0 : i32
    %dma_start3A_15 = arith.constant 0 : i32
    %dma_start3A_16 = tpu.memref_slice %arg7[%dma_start3A_14, %dma_start3A_15] : memref<80x128xi32, #tpu.memory_space<vmem>> -> memref<1x128xi32, #tpu.memory_space<vmem>>
    %dma_start3A_17 = tpu.memref_squeeze %dma_start3A_16 : memref<1x128xi32, #tpu.memory_space<vmem>> -> memref<128xi32, #tpu.memory_space<vmem>>
    %dma_start3A_18 = arith.constant 0 : i32
    %dma_start3A_19 = arith.constant 0 : i32
    %dma_start3A_20 = tpu.memref_slice %arg2[%dma_start3A_18, %dma_start3A_19] : memref<10112x128xf32, #tpu.memory_space<hbm>> -> memref<10112x128xf32, #tpu.memory_space<hbm>>
    tpu.enqueue_indirect_dma source(%dma_start3A_20 : memref<10112x128xf32, #tpu.memory_space<hbm>>) target(%arg10 : memref<128x128xf32, #tpu.memory_space<vmem>>) offsets(%dma_start3A_17 : memref<128xi32, #tpu.memory_space<vmem>>) semaphore(%arg13 : memref<!tpu.dma_semaphore, #tpu.memory_space<semaphore_mem>>)
    %dma_start3A_21 = arith.constant 1 : i32
    %dma_start3A_22 = arith.constant 0 : i32
    %dma_start3A_23 = tpu.memref_slice %arg7[%dma_start3A_21, %dma_start3A_22] : memref<80x128xi32, #tpu.memory_space<vmem>> -> memref<1x128xi32, #tpu.memory_space<vmem>>
    %dma_start3A_24 = tpu.memref_squeeze %dma_start3A_23 : memref<1x128xi32, #tpu.memory_space<vmem>> -> memref<128xi32, #tpu.memory_space<vmem>>
    %dma_start3A_25 = arith.constant 0 : i32
    %dma_start3A_26 = arith.constant 0 : i32
    %dma_start3A_27 = tpu.memref_slice %arg2[%dma_start3A_25, %dma_start3A_26] : memref<10112x128xf32, #tpu.memory_space<hbm>> -> memref<10112x128xf32, #tpu.memory_space<hbm>>
    tpu.enqueue_indirect_dma source(%dma_start3A_27 : memref<10112x128xf32, #tpu.memory_space<hbm>>) target(%arg11 : memref<128x128xf32, #tpu.memory_space<vmem>>) offsets(%dma_start3A_24 : memref<128xi32, #tpu.memory_space<vmem>>) semaphore(%arg14 : memref<!tpu.dma_semaphore, #tpu.memory_space<semaphore_mem>>)
    %mul3A_28 = arith.constant 632 : i32
    %mul3A_29 = arith.muli %arg1, %mul3A_28 : i32
    %mul3A_30 = arith.constant 632 : i32
    %mul3A_31 = arith.muli %arg1, %mul3A_30 : i32
    "tpu.region"() ({
      %run_scoped3A = tpu.sem_alloc : memref<!tpu.dma_semaphore, #tpu.memory_space<semaphore_mem>>
      %dma_start3A_42 = arith.constant 0 : i32
      %dma_start3A_43 = tpu.memref_slice %arg12[%mul3A_31, %dma_start3A_42] : memref<10112x128xf32, #tpu.memory_space<vmem_shared>> -> memref<632x128xf32, #tpu.memory_space<vmem_shared>>
      %dma_start3A_44 = arith.constant 0 : i32
      %dma_start3A_45 = tpu.memref_slice %arg3[%mul3A_29, %dma_start3A_44] : memref<10112x128xf32, #tpu.memory_space<hbm>> -> memref<632x128xf32, #tpu.memory_space<hbm>>
      tpu.enqueue_dma source(%dma_start3A_45 : memref<632x128xf32, #tpu.memory_space<hbm>>) target(%dma_start3A_43 : memref<632x128xf32, #tpu.memory_space<vmem_shared>>) target_semaphore(%run_scoped3A : memref<!tpu.dma_semaphore, #tpu.memory_space<semaphore_mem>>)
      %dma_wait3A = arith.constant 0 : i32
      %dma_wait3A_46 = tpu.memref_slice %arg12[%mul3A_31, %dma_wait3A] : memref<10112x128xf32, #tpu.memory_space<vmem_shared>> -> memref<632x128xf32, #tpu.memory_space<vmem_shared>>
      %dma_wait3A_47 = arith.constant 0 : i32
      %dma_wait3A_48 = tpu.memref_slice %arg3[%mul3A_29, %dma_wait3A_47] : memref<10112x128xf32, #tpu.memory_space<hbm>> -> memref<632x128xf32, #tpu.memory_space<hbm>>
      tpu.wait_dma2 semaphore(%run_scoped3A : memref<!tpu.dma_semaphore, #tpu.memory_space<semaphore_mem>>) src(%dma_wait3A_48 : memref<632x128xf32, #tpu.memory_space<hbm>>) dst(%dma_wait3A_46 : memref<632x128xf32, #tpu.memory_space<vmem_shared>>)
      tpu.yield
    }) : () -> ()
    %barrier3A = arith.constant 0 : index
    tpu.barrier barrier_id(%barrier3A)
    %scan3A = arith.constant 0 : i32
    %scan3A_32 = arith.constant 0 : i32
    %scan3A_33 = arith.constant 40 : i32
    %scan3A_34 = arith.addi %scan3A_32, %scan3A_33 : i32
    %scan3A_35 = arith.constant 1 : i32
    scf.for %scan3A_42 = %scan3A_32 to %scan3A_34 step %scan3A_35  : i32 {
      %mul3A_43 = arith.constant 2 : i32
      %mul3A_44 = arith.muli %mul3A_43, %scan3A_42 : i32
      %dma_wait3A = arith.constant 0 : i32
      %dma_wait3A_45 = arith.constant 0 : i32
      %dma_wait3A_46 = tpu.memref_slice %arg2[%dma_wait3A, %dma_wait3A_45] : memref<10112x128xf32, #tpu.memory_space<hbm>> -> memref<128x128xf32, #tpu.memory_space<hbm>>
      %dma_wait3A_47 = arith.constant 0 : i32
      %dma_wait3A_48 = arith.constant 0 : i32
      %dma_wait3A_49 = tpu.memref_slice %arg2[%dma_wait3A_47, %dma_wait3A_48] : memref<10112x128xf32, #tpu.memory_space<hbm>> -> memref<128x128xf32, #tpu.memory_space<hbm>>
      tpu.wait_dma2 semaphore(%arg13 : memref<!tpu.dma_semaphore, #tpu.memory_space<semaphore_mem>>) src(%dma_wait3A_49 : memref<128x128xf32, #tpu.memory_space<hbm>>) dst(%arg10 : memref<128x128xf32, #tpu.memory_space<vmem>>)
      %dma_wait3A_50 = arith.constant 0 : i32
      %dma_wait3A_51 = arith.constant 0 : i32
      %dma_wait3A_52 = tpu.memref_slice %arg5[%add3A, %dma_wait3A_50, %dma_wait3A_51] : memref<32x80x128xi32, #tpu.memory_space<hbm>> -> memref<1x1x128xi32, #tpu.memory_space<hbm>>
      %dma_wait3A_53 = tpu.memref_squeeze %dma_wait3A_52 : memref<1x1x128xi32, #tpu.memory_space<hbm>> -> memref<128xi32, #tpu.memory_space<hbm>>
      %dma_wait3A_54 = arith.constant 0 : i32
      %dma_wait3A_55 = tpu.memref_slice %arg5[%add3A, %dma_wait3A_50, %dma_wait3A_54] : memref<32x80x128xi32, #tpu.memory_space<hbm>> -> memref<1x1x128xi32, #tpu.memory_space<hbm>>
      %dma_wait3A_56 = tpu.memref_squeeze %dma_wait3A_55 : memref<1x1x128xi32, #tpu.memory_space<hbm>> -> memref<128xi32, #tpu.memory_space<hbm>>
      tpu.wait_dma2 semaphore(%arg15 : memref<!tpu.dma_semaphore, #tpu.memory_space<semaphore_mem>>) src(%dma_wait3A_56 : memref<128xi32, #tpu.memory_space<hbm>>) dst(%arg8 : memref<128xi32, #tpu.memory_space<vmem>>)
      "tpu.region"() ({
        %run_scoped3A = tpu.sem_alloc : memref<!tpu.dma_semaphore, #tpu.memory_space<semaphore_mem>>
        %dma_start3A_77 = arith.constant 0 : i32
        %dma_start3A_78 = arith.constant 0 : i32
        %dma_start3A_79 = tpu.memref_slice %arg12[%dma_start3A_77, %dma_start3A_78] : memref<10112x128xf32, #tpu.memory_space<vmem_shared>> -> memref<10112x128xf32, #tpu.memory_space<vmem_shared>>
        tpu.enqueue_indirect_dma source(%arg10 : memref<128x128xf32, #tpu.memory_space<vmem>>) target(%dma_start3A_79 : memref<10112x128xf32, #tpu.memory_space<vmem_shared>>) offsets(%arg8 : memref<128xi32, #tpu.memory_space<vmem>>) semaphore(%run_scoped3A : memref<!tpu.dma_semaphore, #tpu.memory_space<semaphore_mem>>) {add = true}
        %dma_wait3A_80 = arith.constant 0 : i32
        %dma_wait3A_81 = arith.constant 0 : i32
        %dma_wait3A_82 = tpu.memref_slice %arg12[%dma_wait3A_80, %dma_wait3A_81] : memref<10112x128xf32, #tpu.memory_space<vmem_shared>> -> memref<10112x128xf32, #tpu.memory_space<vmem_shared>>
        tpu.wait_indirect_dma semaphore(%run_scoped3A : memref<!tpu.dma_semaphore, #tpu.memory_space<semaphore_mem>>) src(%arg10 : memref<128x128xf32, #tpu.memory_space<vmem>>) dst(%dma_wait3A_82 : memref<10112x128xf32, #tpu.memory_space<vmem_shared>>)
        tpu.yield
      }) : () -> ()
      %lt3A = arith.constant 39 : i32
      %lt3A_57 = arith.cmpi slt, %scan3A_42, %lt3A : i32
      %convert_element_type3A = arith.extui %lt3A_57 : i1 to i32
      %cond3A = arith.constant 0 : i32
      %cond3A_58 = arith.cmpi ne, %convert_element_type3A, %cond3A : i32
      scf.if %cond3A_58 {
        %add3A_77 = arith.constant 2 : i32
        %add3A_78 = arith.addi %mul3A_44, %add3A_77 : i32
        %dma_start3A_79 = arith.constant 0 : i32
        %dma_start3A_80 = tpu.memref_slice %arg7[%add3A_78, %dma_start3A_79] : memref<80x128xi32, #tpu.memory_space<vmem>> -> memref<1x128xi32, #tpu.memory_space<vmem>>
        %dma_start3A_81 = tpu.memref_squeeze %dma_start3A_80 : memref<1x128xi32, #tpu.memory_space<vmem>> -> memref<128xi32, #tpu.memory_space<vmem>>
        %dma_start3A_82 = arith.constant 0 : i32
        %dma_start3A_83 = arith.constant 0 : i32
        %dma_start3A_84 = tpu.memref_slice %arg2[%dma_start3A_82, %dma_start3A_83] : memref<10112x128xf32, #tpu.memory_space<hbm>> -> memref<10112x128xf32, #tpu.memory_space<hbm>>
        tpu.enqueue_indirect_dma source(%dma_start3A_84 : memref<10112x128xf32, #tpu.memory_space<hbm>>) target(%arg10 : memref<128x128xf32, #tpu.memory_space<vmem>>) offsets(%dma_start3A_81 : memref<128xi32, #tpu.memory_space<vmem>>) semaphore(%arg13 : memref<!tpu.dma_semaphore, #tpu.memory_space<semaphore_mem>>)
        %add3A_85 = arith.constant 2 : i32
        %add3A_86 = arith.addi %mul3A_44, %add3A_85 : i32
        %dma_start3A_87 = arith.constant 0 : i32
        %dma_start3A_88 = tpu.memref_slice %arg5[%add3A, %add3A_86, %dma_start3A_87] : memref<32x80x128xi32, #tpu.memory_space<hbm>> -> memref<1x1x128xi32, #tpu.memory_space<hbm>>
        %dma_start3A_89 = tpu.memref_squeeze %dma_start3A_88 : memref<1x1x128xi32, #tpu.memory_space<hbm>> -> memref<128xi32, #tpu.memory_space<hbm>>
        %dma_start3A_90 = arith.constant 0 : i32
        %dma_start3A_91 = tpu.memref_slice %arg5[%add3A, %add3A_86, %dma_start3A_90] : memref<32x80x128xi32, #tpu.memory_space<hbm>> -> memref<1x1x128xi32, #tpu.memory_space<hbm>>
        %dma_start3A_92 = tpu.memref_squeeze %dma_start3A_91 : memref<1x1x128xi32, #tpu.memory_space<hbm>> -> memref<128xi32, #tpu.memory_space<hbm>>
        tpu.enqueue_dma source(%dma_start3A_92 : memref<128xi32, #tpu.memory_space<hbm>>) target(%arg8 : memref<128xi32, #tpu.memory_space<vmem>>) target_semaphore(%arg15 : memref<!tpu.dma_semaphore, #tpu.memory_space<semaphore_mem>>)
      } else {
      }
      %dma_wait3A_59 = arith.constant 0 : i32
      %dma_wait3A_60 = arith.constant 0 : i32
      %dma_wait3A_61 = tpu.memref_slice %arg2[%dma_wait3A_59, %dma_wait3A_60] : memref<10112x128xf32, #tpu.memory_space<hbm>> -> memref<128x128xf32, #tpu.memory_space<hbm>>
      %dma_wait3A_62 = arith.constant 0 : i32
      %dma_wait3A_63 = arith.constant 0 : i32
      %dma_wait3A_64 = tpu.memref_slice %arg2[%dma_wait3A_62, %dma_wait3A_63] : memref<10112x128xf32, #tpu.memory_space<hbm>> -> memref<128x128xf32, #tpu.memory_space<hbm>>
      tpu.wait_dma2 semaphore(%arg14 : memref<!tpu.dma_semaphore, #tpu.memory_space<semaphore_mem>>) src(%dma_wait3A_64 : memref<128x128xf32, #tpu.memory_space<hbm>>) dst(%arg11 : memref<128x128xf32, #tpu.memory_space<vmem>>)
      %dma_wait3A_65 = arith.constant 1 : i32
      %dma_wait3A_66 = arith.constant 0 : i32
      %dma_wait3A_67 = tpu.memref_slice %arg5[%add3A, %dma_wait3A_65, %dma_wait3A_66] : memref<32x80x128xi32, #tpu.memory_space<hbm>> -> memref<1x1x128xi32, #tpu.memory_space<hbm>>
      %dma_wait3A_68 = tpu.memref_squeeze %dma_wait3A_67 : memref<1x1x128xi32, #tpu.memory_space<hbm>> -> memref<128xi32, #tpu.memory_space<hbm>>
      %dma_wait3A_69 = arith.constant 0 : i32
      %dma_wait3A_70 = tpu.memref_slice %arg5[%add3A, %dma_wait3A_65, %dma_wait3A_69] : memref<32x80x128xi32, #tpu.memory_space<hbm>> -> memref<1x1x128xi32, #tpu.memory_space<hbm>>
      %dma_wait3A_71 = tpu.memref_squeeze %dma_wait3A_70 : memref<1x1x128xi32, #tpu.memory_space<hbm>> -> memref<128xi32, #tpu.memory_space<hbm>>
      tpu.wait_dma2 semaphore(%arg16 : memref<!tpu.dma_semaphore, #tpu.memory_space<semaphore_mem>>) src(%dma_wait3A_71 : memref<128xi32, #tpu.memory_space<hbm>>) dst(%arg9 : memref<128xi32, #tpu.memory_space<vmem>>)
      "tpu.region"() ({
        %run_scoped3A = tpu.sem_alloc : memref<!tpu.dma_semaphore, #tpu.memory_space<semaphore_mem>>
        %dma_start3A_77 = arith.constant 0 : i32
        %dma_start3A_78 = arith.constant 0 : i32
        %dma_start3A_79 = tpu.memref_slice %arg12[%dma_start3A_77, %dma_start3A_78] : memref<10112x128xf32, #tpu.memory_space<vmem_shared>> -> memref<10112x128xf32, #tpu.memory_space<vmem_shared>>
        tpu.enqueue_indirect_dma source(%arg11 : memref<128x128xf32, #tpu.memory_space<vmem>>) target(%dma_start3A_79 : memref<10112x128xf32, #tpu.memory_space<vmem_shared>>) offsets(%arg9 : memref<128xi32, #tpu.memory_space<vmem>>) semaphore(%run_scoped3A : memref<!tpu.dma_semaphore, #tpu.memory_space<semaphore_mem>>) {add = true}
        %dma_wait3A_80 = arith.constant 0 : i32
        %dma_wait3A_81 = arith.constant 0 : i32
        %dma_wait3A_82 = tpu.memref_slice %arg12[%dma_wait3A_80, %dma_wait3A_81] : memref<10112x128xf32, #tpu.memory_space<vmem_shared>> -> memref<10112x128xf32, #tpu.memory_space<vmem_shared>>
        tpu.wait_indirect_dma semaphore(%run_scoped3A : memref<!tpu.dma_semaphore, #tpu.memory_space<semaphore_mem>>) src(%arg11 : memref<128x128xf32, #tpu.memory_space<vmem>>) dst(%dma_wait3A_82 : memref<10112x128xf32, #tpu.memory_space<vmem_shared>>)
        tpu.yield
      }) : () -> ()
      %lt3A_72 = arith.constant 39 : i32
      %lt3A_73 = arith.cmpi slt, %scan3A_42, %lt3A_72 : i32
      %convert_element_type3A_74 = arith.extui %lt3A_73 : i1 to i32
      %cond3A_75 = arith.constant 0 : i32
      %cond3A_76 = arith.cmpi ne, %convert_element_type3A_74, %cond3A_75 : i32
      scf.if %cond3A_76 {
        %add3A_77 = arith.constant 3 : i32
        %add3A_78 = arith.addi %mul3A_44, %add3A_77 : i32
        %dma_start3A_79 = arith.constant 0 : i32
        %dma_start3A_80 = tpu.memref_slice %arg7[%add3A_78, %dma_start3A_79] : memref<80x128xi32, #tpu.memory_space<vmem>> -> memref<1x128xi32, #tpu.memory_space<vmem>>
        %dma_start3A_81 = tpu.memref_squeeze %dma_start3A_80 : memref<1x128xi32, #tpu.memory_space<vmem>> -> memref<128xi32, #tpu.memory_space<vmem>>
        %dma_start3A_82 = arith.constant 0 : i32
        %dma_start3A_83 = arith.constant 0 : i32
        %dma_start3A_84 = tpu.memref_slice %arg2[%dma_start3A_82, %dma_start3A_83] : memref<10112x128xf32, #tpu.memory_space<hbm>> -> memref<10112x128xf32, #tpu.memory_space<hbm>>
        tpu.enqueue_indirect_dma source(%dma_start3A_84 : memref<10112x128xf32, #tpu.memory_space<hbm>>) target(%arg11 : memref<128x128xf32, #tpu.memory_space<vmem>>) offsets(%dma_start3A_81 : memref<128xi32, #tpu.memory_space<vmem>>) semaphore(%arg14 : memref<!tpu.dma_semaphore, #tpu.memory_space<semaphore_mem>>)
        %add3A_85 = arith.constant 3 : i32
        %add3A_86 = arith.addi %mul3A_44, %add3A_85 : i32
        %dma_start3A_87 = arith.constant 0 : i32
        %dma_start3A_88 = tpu.memref_slice %arg5[%add3A, %add3A_86, %dma_start3A_87] : memref<32x80x128xi32, #tpu.memory_space<hbm>> -> memref<1x1x128xi32, #tpu.memory_space<hbm>>
        %dma_start3A_89 = tpu.memref_squeeze %dma_start3A_88 : memref<1x1x128xi32, #tpu.memory_space<hbm>> -> memref<128xi32, #tpu.memory_space<hbm>>
        %dma_start3A_90 = arith.constant 0 : i32
        %dma_start3A_91 = tpu.memref_slice %arg5[%add3A, %add3A_86, %dma_start3A_90] : memref<32x80x128xi32, #tpu.memory_space<hbm>> -> memref<1x1x128xi32, #tpu.memory_space<hbm>>
        %dma_start3A_92 = tpu.memref_squeeze %dma_start3A_91 : memref<1x1x128xi32, #tpu.memory_space<hbm>> -> memref<128xi32, #tpu.memory_space<hbm>>
        tpu.enqueue_dma source(%dma_start3A_92 : memref<128xi32, #tpu.memory_space<hbm>>) target(%arg9 : memref<128xi32, #tpu.memory_space<vmem>>) target_semaphore(%arg16 : memref<!tpu.dma_semaphore, #tpu.memory_space<semaphore_mem>>)
      } else {
      }
    }
    %scan3A_36 = arith.constant 40 : i32
    %barrier3A_37 = arith.constant 0 : index
    tpu.barrier barrier_id(%barrier3A_37)
    %mul3A_38 = arith.constant 632 : i32
    %mul3A_39 = arith.muli %arg1, %mul3A_38 : i32
    %mul3A_40 = arith.constant 632 : i32
    %mul3A_41 = arith.muli %arg1, %mul3A_40 : i32
    "tpu.region"() ({
      %run_scoped3A = tpu.sem_alloc : memref<!tpu.dma_semaphore, #tpu.memory_space<semaphore_mem>>
      %dma_start3A_42 = arith.constant 0 : i32
      %dma_start3A_43 = tpu.memref_slice %arg6[%arg0, %mul3A_41, %dma_start3A_42] : memref<2x10112x128xf32, #tpu.memory_space<hbm>> -> memref<1x632x128xf32, #tpu.memory_space<hbm>>
      %dma_start3A_44 = tpu.memref_squeeze %dma_start3A_43 : memref<1x632x128xf32, #tpu.memory_space<hbm>> -> memref<632x128xf32, #tpu.memory_space<hbm>>
      %dma_start3A_45 = arith.constant 0 : i32
      %dma_start3A_46 = tpu.memref_slice %arg12[%mul3A_39, %dma_start3A_45] : memref<10112x128xf32, #tpu.memory_space<vmem_shared>> -> memref<632x128xf32, #tpu.memory_space<vmem_shared>>
      tpu.enqueue_dma source(%dma_start3A_46 : memref<632x128xf32, #tpu.memory_space<vmem_shared>>) target(%dma_start3A_44 : memref<632x128xf32, #tpu.memory_space<hbm>>) target_semaphore(%run_scoped3A : memref<!tpu.dma_semaphore, #tpu.memory_space<semaphore_mem>>)
      %dma_wait3A = arith.constant 0 : i32
      %dma_wait3A_47 = tpu.memref_slice %arg6[%arg0, %mul3A_41, %dma_wait3A] : memref<2x10112x128xf32, #tpu.memory_space<hbm>> -> memref<1x632x128xf32, #tpu.memory_space<hbm>>
      %dma_wait3A_48 = tpu.memref_squeeze %dma_wait3A_47 : memref<1x632x128xf32, #tpu.memory_space<hbm>> -> memref<632x128xf32, #tpu.memory_space<hbm>>
      %dma_wait3A_49 = arith.constant 0 : i32
      %dma_wait3A_50 = tpu.memref_slice %arg12[%mul3A_39, %dma_wait3A_49] : memref<10112x128xf32, #tpu.memory_space<vmem_shared>> -> memref<632x128xf32, #tpu.memory_space<vmem_shared>>
      tpu.wait_dma2 semaphore(%run_scoped3A : memref<!tpu.dma_semaphore, #tpu.memory_space<semaphore_mem>>) src(%dma_wait3A_50 : memref<632x128xf32, #tpu.memory_space<vmem_shared>>) dst(%dma_wait3A_48 : memref<632x128xf32, #tpu.memory_space<hbm>>)
      tpu.yield
    }) : () -> ()
    return
  }
}

module attributes {stable_mosaic.version = 14 : i64} {
  func.func @_pre_body(%arg0: memref<2x10112x128xf32, #tpu.memory_space<vmem>>, %arg1: memref<10112x128xf32, #tpu.memory_space<vmem>>, %arg2: memref<128x128xf32, #tpu.memory_space<vmem>>, %arg3: memref<10112x1xf32, #tpu.memory_space<vmem>>, %arg4: memref<10112x128xf32, #tpu.memory_space<vmem>>, %arg5: memref<10112x128xf32, #tpu.memory_space<vmem>>) attributes {dimension_semantics = [], scalar_prefetch = 0 : i64, scratch_operands = 0 : i64, tpu.core_type = #tpu.core_type<tc>} {
    %get3A = arith.constant 0 : index
    %get3A_0 = arith.constant 0 : index
    %get3A_1 = arith.constant 0 : index
    %get3A_2 = vector.load %arg0[%get3A, %get3A_0, %get3A_1] : memref<2x10112x128xf32, #tpu.memory_space<vmem>>, vector<1x10112x1xf32>
    %get3A_3 = vector.shape_cast %get3A_2 : vector<1x10112x1xf32> to vector<10112x1xf32>
    %get3A_4 = arith.constant 1 : index
    %get3A_5 = arith.constant 0 : index
    %get3A_6 = arith.constant 0 : index
    %get3A_7 = vector.load %arg0[%get3A_4, %get3A_5, %get3A_6] : memref<2x10112x128xf32, #tpu.memory_space<vmem>>, vector<1x10112x1xf32>
    %get3A_8 = vector.shape_cast %get3A_7 : vector<1x10112x1xf32> to vector<10112x1xf32>
    %add3A = arith.addf %get3A_3, %get3A_8 : vector<10112x1xf32>
    %add3A_9 = arith.constant 1.000000e+00 : f32
    %add3A_10 = vector.broadcast %add3A_9 : f32 to vector<10112x1xf32>
    %add3A_11 = arith.addf %add3A, %add3A_10 : vector<10112x1xf32>
    %rsqrt3A = math.rsqrt %add3A_11 : vector<10112x1xf32>
    %get3A_12 = arith.constant 0 : index
    %get3A_13 = arith.constant 0 : index
    %get3A_14 = vector.load %arg1[%get3A_12, %get3A_13] : memref<10112x128xf32, #tpu.memory_space<vmem>>, vector<10112x128xf32>
    %get3A_15 = arith.constant 0 : index
    %get3A_16 = arith.constant 0 : index
    %get3A_17 = vector.load %arg2[%get3A_15, %get3A_16] : memref<128x128xf32, #tpu.memory_space<vmem>>, vector<128x128xf32>
    %dot_general3A = arith.constant dense<0.000000e+00> : vector<10112x128xf32>
    %dot_general3A_18 = tpu.matmul %get3A_14, %get3A_17, %dot_general3A {dimension_numbers = #tpu.dot_dimension_numbers<[1], [0], [0], [1], [0, 0, 1, 1], [], []>, transpose_lhs_hint = false} : vector<10112x128xf32>, vector<128x128xf32>, vector<10112x128xf32> -> vector<10112x128xf32>
    %mul3A = vector.broadcast %rsqrt3A : vector<10112x1xf32> to vector<10112x128xf32>
    %mul3A_19 = arith.mulf %dot_general3A_18, %mul3A : vector<10112x128xf32>
    %swap3A = arith.constant 0 : index
    %swap3A_20 = arith.constant 0 : index
    %swap3A_21 = vector.load %arg3[%swap3A, %swap3A_20] : memref<10112x1xf32, #tpu.memory_space<vmem>>, vector<10112x1xf32>
    tpu.vector_store %arg3[%swap3A, %swap3A_20], %rsqrt3A {strides = array<i32>} : memref<10112x1xf32, #tpu.memory_space<vmem>>, vector<10112x1xf32>,
    %swap3A_22 = arith.constant 0 : index
    %swap3A_23 = arith.constant 0 : index
    %swap3A_24 = vector.load %arg4[%swap3A_22, %swap3A_23] : memref<10112x128xf32, #tpu.memory_space<vmem>>, vector<10112x128xf32>
    tpu.vector_store %arg4[%swap3A_22, %swap3A_23], %mul3A_19 {strides = array<i32>} : memref<10112x128xf32, #tpu.memory_space<vmem>>, vector<10112x128xf32>,
    %mul3A_25 = arith.constant 5.000000e-01 : f32
    %mul3A_26 = vector.broadcast %mul3A_25 : f32 to vector<10112x128xf32>
    %mul3A_27 = arith.mulf %mul3A_19, %mul3A_26 : vector<10112x128xf32>
    %swap3A_28 = arith.constant 0 : index
    %swap3A_29 = arith.constant 0 : index
    %swap3A_30 = vector.load %arg5[%swap3A_28, %swap3A_29] : memref<10112x128xf32, #tpu.memory_space<vmem>>, vector<10112x128xf32>
    tpu.vector_store %arg5[%swap3A_28, %swap3A_29], %mul3A_27 {strides = array<i32>} : memref<10112x128xf32, #tpu.memory_space<vmem>>, vector<10112x128xf32>,
    return
  }
}

module attributes {stable_mosaic.version = 14 : i64} {
  func.func @_mid_body(%arg0: memref<2x10112x128xf32, #tpu.memory_space<vmem>>, %arg1: memref<10112x1xf32, #tpu.memory_space<vmem>>, %arg2: memref<1x128xf32, #tpu.memory_space<vmem>>, %arg3: memref<128x128xf32, #tpu.memory_space<vmem>>, %arg4: memref<10112x128xf32, #tpu.memory_space<vmem>>, %arg5: memref<10112x128xf32, #tpu.memory_space<vmem>>) attributes {dimension_semantics = [], scalar_prefetch = 0 : i64, scratch_operands = 0 : i64, tpu.core_type = #tpu.core_type<tc>} {
    %get3A = arith.constant 0 : index
    %get3A_0 = arith.constant 0 : index
    %get3A_1 = arith.constant 0 : index
    %get3A_2 = vector.load %arg0[%get3A, %get3A_0, %get3A_1] : memref<2x10112x128xf32, #tpu.memory_space<vmem>>, vector<1x10112x128xf32>
    %get3A_3 = vector.shape_cast %get3A_2 : vector<1x10112x128xf32> to vector<10112x128xf32>
    %get3A_4 = arith.constant 1 : index
    %get3A_5 = arith.constant 0 : index
    %get3A_6 = arith.constant 0 : index
    %get3A_7 = vector.load %arg0[%get3A_4, %get3A_5, %get3A_6] : memref<2x10112x128xf32, #tpu.memory_space<vmem>>, vector<1x10112x128xf32>
    %get3A_8 = vector.shape_cast %get3A_7 : vector<1x10112x128xf32> to vector<10112x128xf32>
    %add3A = arith.addf %get3A_3, %get3A_8 : vector<10112x128xf32>
    %get3A_9 = arith.constant 0 : index
    %get3A_10 = arith.constant 0 : index
    %get3A_11 = vector.load %arg1[%get3A_9, %get3A_10] : memref<10112x1xf32, #tpu.memory_space<vmem>>, vector<10112x1xf32>
    %mul3A = vector.broadcast %get3A_11 : vector<10112x1xf32> to vector<10112x128xf32>
    %mul3A_12 = arith.mulf %add3A, %mul3A : vector<10112x128xf32>
    %get3A_13 = arith.constant 0 : index
    %get3A_14 = arith.constant 0 : index
    %get3A_15 = vector.load %arg2[%get3A_13, %get3A_14] : memref<1x128xf32, #tpu.memory_space<vmem>>, vector<1x128xf32>
    %add3A_16 = vector.broadcast %get3A_15 : vector<1x128xf32> to vector<10112x128xf32>
    %add3A_17 = arith.addf %mul3A_12, %add3A_16 : vector<10112x128xf32>
    %max3A = arith.constant 0.000000e+00 : f32
    %max3A_18 = vector.broadcast %max3A : f32 to vector<10112x128xf32>
    %max3A_19 = arith.maximumf %add3A_17, %max3A_18 : vector<10112x128xf32>
    %get3A_20 = arith.constant 0 : index
    %get3A_21 = arith.constant 0 : index
    %get3A_22 = vector.load %arg3[%get3A_20, %get3A_21] : memref<128x128xf32, #tpu.memory_space<vmem>>, vector<128x128xf32>
    %dot_general3A = arith.constant dense<0.000000e+00> : vector<10112x128xf32>
    %dot_general3A_23 = tpu.matmul %max3A_19, %get3A_22, %dot_general3A {dimension_numbers = #tpu.dot_dimension_numbers<[1], [0], [0], [1], [0, 0, 1, 1], [], []>, transpose_lhs_hint = false} : vector<10112x128xf32>, vector<128x128xf32>, vector<10112x128xf32> -> vector<10112x128xf32>
    %get3A_24 = arith.constant 0 : index
    %get3A_25 = arith.constant 0 : index
    %get3A_26 = vector.load %arg1[%get3A_24, %get3A_25] : memref<10112x1xf32, #tpu.memory_space<vmem>>, vector<10112x1xf32>
    %mul3A_27 = vector.broadcast %get3A_26 : vector<10112x1xf32> to vector<10112x128xf32>
    %mul3A_28 = arith.mulf %dot_general3A_23, %mul3A_27 : vector<10112x128xf32>
    %iota3A = tpu.iota {dimensions = array<i32: 0>} : vector<10112x128xi32>
    %lt3A = arith.constant 10000 : i32
    %lt3A_29 = vector.broadcast %lt3A : i32 to vector<10112x128xi32>
    %lt3A_30 = arith.cmpi slt, %iota3A, %lt3A_29 : vector<10112x128xi32>
    %jit3A = arith.constant 0.000000e+00 : f32
    %broadcast_in_dim3A = vector.broadcast %jit3A : f32 to vector<10112x128xf32>
    %select_n3A = arith.select %lt3A_30, %mul3A_28, %broadcast_in_dim3A : vector<10112x128xi1>, vector<10112x128xf32>
    %swap3A = arith.constant 0 : index
    %swap3A_31 = arith.constant 0 : index
    %swap3A_32 = vector.load %arg4[%swap3A, %swap3A_31] : memref<10112x128xf32, #tpu.memory_space<vmem>>, vector<10112x128xf32>
    tpu.vector_store %arg4[%swap3A, %swap3A_31], %select_n3A {strides = array<i32>} : memref<10112x128xf32, #tpu.memory_space<vmem>>, vector<10112x128xf32>,
    %mul3A_33 = arith.constant 5.000000e-01 : f32
    %mul3A_34 = vector.broadcast %mul3A_33 : f32 to vector<10112x128xf32>
    %mul3A_35 = arith.mulf %select_n3A, %mul3A_34 : vector<10112x128xf32>
    %swap3A_36 = arith.constant 0 : index
    %swap3A_37 = arith.constant 0 : index
    %swap3A_38 = vector.load %arg5[%swap3A_36, %swap3A_37] : memref<10112x128xf32, #tpu.memory_space<vmem>>, vector<10112x128xf32>
    tpu.vector_store %arg5[%swap3A_36, %swap3A_37], %mul3A_35 {strides = array<i32>} : memref<10112x128xf32, #tpu.memory_space<vmem>>, vector<10112x128xf32>,
    return
  }
}

module attributes {stable_mosaic.version = 14 : i64} {
  func.func @_post_body(%arg0: memref<2x10112x128xf32, #tpu.memory_space<vmem>>, %arg1: memref<10112x1xf32, #tpu.memory_space<vmem>>, %arg2: memref<1x128xf32, #tpu.memory_space<vmem>>, %arg3: memref<128x2xf32, #tpu.memory_space<vmem>>, %arg4: memref<1x2xf32, #tpu.memory_space<vmem>>, %arg5: memref<10112x2xf32, #tpu.memory_space<vmem>>) attributes {dimension_semantics = [], scalar_prefetch = 0 : i64, scratch_operands = 0 : i64, tpu.core_type = #tpu.core_type<tc>} {
    %get3A = arith.constant 0 : index
    %get3A_0 = arith.constant 0 : index
    %get3A_1 = arith.constant 0 : index
    %get3A_2 = vector.load %arg0[%get3A, %get3A_0, %get3A_1] : memref<2x10112x128xf32, #tpu.memory_space<vmem>>, vector<1x10112x128xf32>
    %get3A_3 = vector.shape_cast %get3A_2 : vector<1x10112x128xf32> to vector<10112x128xf32>
    %get3A_4 = arith.constant 1 : index
    %get3A_5 = arith.constant 0 : index
    %get3A_6 = arith.constant 0 : index
    %get3A_7 = vector.load %arg0[%get3A_4, %get3A_5, %get3A_6] : memref<2x10112x128xf32, #tpu.memory_space<vmem>>, vector<1x10112x128xf32>
    %get3A_8 = vector.shape_cast %get3A_7 : vector<1x10112x128xf32> to vector<10112x128xf32>
    %add3A = arith.addf %get3A_3, %get3A_8 : vector<10112x128xf32>
    %get3A_9 = arith.constant 0 : index
    %get3A_10 = arith.constant 0 : index
    %get3A_11 = vector.load %arg1[%get3A_9, %get3A_10] : memref<10112x1xf32, #tpu.memory_space<vmem>>, vector<10112x1xf32>
    %mul3A = vector.broadcast %get3A_11 : vector<10112x1xf32> to vector<10112x128xf32>
    %mul3A_12 = arith.mulf %add3A, %mul3A : vector<10112x128xf32>
    %get3A_13 = arith.constant 0 : index
    %get3A_14 = arith.constant 0 : index
    %get3A_15 = vector.load %arg2[%get3A_13, %get3A_14] : memref<1x128xf32, #tpu.memory_space<vmem>>, vector<1x128xf32>
    %add3A_16 = vector.broadcast %get3A_15 : vector<1x128xf32> to vector<10112x128xf32>
    %add3A_17 = arith.addf %mul3A_12, %add3A_16 : vector<10112x128xf32>
    %max3A = arith.constant 0.000000e+00 : f32
    %max3A_18 = vector.broadcast %max3A : f32 to vector<10112x128xf32>
    %max3A_19 = arith.maximumf %add3A_17, %max3A_18 : vector<10112x128xf32>
    %get3A_20 = arith.constant 0 : index
    %get3A_21 = arith.constant 0 : index
    %get3A_22 = vector.load %arg3[%get3A_20, %get3A_21] : memref<128x2xf32, #tpu.memory_space<vmem>>, vector<128x2xf32>
    %dot_general3A = arith.constant dense<0.000000e+00> : vector<10112x2xf32>
    %dot_general3A_23 = tpu.matmul %max3A_19, %get3A_22, %dot_general3A {dimension_numbers = #tpu.dot_dimension_numbers<[1], [0], [0], [1], [0, 0, 1, 1], [], []>, transpose_lhs_hint = false} : vector<10112x128xf32>, vector<128x2xf32>, vector<10112x2xf32> -> vector<10112x2xf32>
    %get3A_24 = arith.constant 0 : index
    %get3A_25 = arith.constant 0 : index
    %get3A_26 = vector.load %arg4[%get3A_24, %get3A_25] : memref<1x2xf32, #tpu.memory_space<vmem>>, vector<1x2xf32>
    %add3A_27 = vector.broadcast %get3A_26 : vector<1x2xf32> to vector<10112x2xf32>
    %add3A_28 = arith.addf %dot_general3A_23, %add3A_27 : vector<10112x2xf32>
    %swap3A = arith.constant 0 : index
    %swap3A_29 = arith.constant 0 : index
    %swap3A_30 = vector.load %arg5[%swap3A, %swap3A_29] : memref<10112x2xf32, #tpu.memory_space<vmem>>, vector<10112x2xf32>
    tpu.vector_store %arg5[%swap3A, %swap3A_29], %add3A_28 {strides = array<i32>} : memref<10112x2xf32, #tpu.memory_space<vmem>>, vector<10112x2xf32>,
    return
  }
}

</mosaic_0001>

<sc_bundles>
// kernel: kernel.11.cloned.1.call-start
scs
__scs_entry_jumppad:
0x0: {  	(pc) =	sbr.rel $0x88, $3  }
0x1: {  	(tag) =	ssettag $0x0;
	lr =	simm.s32 $0x1  }
0x2: {  	[smem:$0x3F99] =	sst lr;
	_ =	strace $0xD0000000  }
0x3: {  	_ = 	snop  }
0x4: {  	_ = 	snop  }
0x5: {  	_ = 	snop  }
0x6: {  	_ = 	snop  }
0x7: {  	_ = 	snop  }
__scs_overlays_trampoline_lowered:
0x8: {  	[smem:$0x3FA8] =	sst s0  }
0x9: {  	[smem:$0x3FA9] =	sst s1  }
0xa: {  	[smem:$0x3FAA] =	sst s2  }
0xb: {  	[smem:$0x3FAB] =	sst s3  }
0xc: {  	[smem:$0x3FAC] =	sst s4  }
0xd: {  	[smem:$0x3FAD] =	sst s5  }
0xe: {  	[smem:$0x3FAE] =	sst s6  }
0xf: {  	[smem:$0x3FAF] =	sst s7  }
0x10: {  	[smem:$0x3FB0] =	sst s8  }
0x11: {  	[smem:$0x3FB1] =	sst s9;
	s0 =	simm.s32 @!p0 $0x0  }
0x12: {  	s1 =	sld [smem:$0x3F97];
	s0 =	simm.s32 @p0 $0x1  }
0x13: {  	[smem:$0x3FB2] =	sst s0;
	s0 =	simm.s32 @!p1 $0x0  }
0x14: {  	s2 =	sld [smem:$0x3F96];
	s0 =	simm.s32 @p1 $0x1  }
0x15: {  	[smem:$0x3FB3] =	sst s0;
	s0 =	simm.s32 @!p2 $0x0  }
0x16: {  	s3 =	sld [smem:$0x3FDB];
	s0 =	simm.s32 @p2 $0x1  }
0x17: {  	s4 =	simm.s32 $0x1BF5;
	[smem:$0x3FB5] =	sst s0  }
0x18: {  	s0 =	sld [smem:$0x3F98];
	_ =	swait.ge [sflag:s4], $0x0  }
0x19: {  	s7 =	sld [smem:$0x3F99]  }
0x1a: {  	s8 =	sadd.s32 $0xFFFFE003, lr  }
0x1b: {  	s9 =	sadd.s32 $0xFFFFFEF7, lr;
	s5 =	simm.s32 $0xFFFFFFFF;
	p2 =	slt.u32 s8, $0xFFFFF086  }
0x1c: {  	p1 =	slt.u32 s9, $0xF7A;
	s5 =	simm.s32 @!p2 $0x0  }
0x1d: {  	s5 =	simm.s32 @p1 $0x1;
	p0 =	seq.s32 s7, s2  }
0x1e: {  	s7 =	smul.u32 @!p0 $0xF7A, s2;
	p2 =	seq.s32 @!p0 s5, $0x0  }
0x1f: {  	s9 =	smul.u32 $0xF7A, s1;
	s8 =	simm.s32 @!p0 $0x1BF5;
	p2 =	por !p2, p0  }
0x20: {  	[sflag:s8] =	ssyncset.s32 @!p0 $0xFFFFF086;
	s6 =	sadd.s32 @!p0 s3, s7;
	s7 =	simm.s32 @!p0 $0x108  }
0x21: {  	s3 =	sadd.s32 s3, s9;
	s6 =	sadd.s32 @!p0 $0x88, s6;
	s7 =	simm.s32 @p2 $0x1082  }
0x22: {  	[simem:s7], [sflag:s8] =	dma.local @!p0 [hbm:s6], $0xF7A  }
0x23: {  	s9 =	sor.u32 $0xD0000000, s2;
	s6 =	simm.s32 $0x108;
	_ =	swait.ge @!p0 [sflag:s8], $0x0  }
0x24: {  	s3 =	sadd.s32 $0x88, s3;
	s6 =	simm.s32 @!p1 $0x1082;
	[sflag:s4] =	ssyncset.s32 $0xFFFFF086  }
0x25: {  	[simem:s6], [sflag:s4] =	dma.local [hbm:s3], $0xF7A  }
0x26: {  	[smem:$0x3F99] =	sst s1;
	(tag) =	ssettag s2;
	_ =	strace s9  }
0x27: {  	s1 =	sld [smem:$0x3FA9]  }
0x28: {  	s2 =	sld [smem:$0x3FAA]  }
0x29: {  	s4 =	sld [smem:$0x3FAC]  }
0x2a: {  	p0 =	seq.s32 s5, $0x0;
	s5 =	sld [smem:$0x3FAD]  }
0x2b: {  	s6 =	sld [smem:$0x3FAE]  }
0x2c: {  	s7 =	sld [smem:$0x3FAF]  }
0x2d: {  	s3 =	simm.s32 $0x108;
	s8 =	sld [smem:$0x3FB0]  }
0x2e: {  	s3 =	simm.s32 @!p0 $0x1082;
	s9 =	sld [smem:$0x3FB1]  }
0x2f: {  	lr =	sadd.s32 s0, s3;
	s0 =	sld [smem:$0x3FA8]  }
0x30: {  	s3 =	sld [smem:$0x3FAB]  }
0x31: {  	[smem:$0x3FB4] =	sst s10  }
0x32: {  	s10 =	sld [smem:$0x3FB2];
	_ =	sdelay $0x3  }
0x33: {  	p0 =	seq.s32 s10, $0x1;
	s10 =	sld [smem:$0x3FB4];
	_ =	sdelay $0x3  }
0x34: {  	[smem:$0x3FB4] =	sst s10  }
0x35: {  	s10 =	sld [smem:$0x3FB3];
	_ =	sdelay $0x3  }
0x36: {  	p1 =	seq.s32 s10, $0x1;
	s10 =	sld [smem:$0x3FB4];
	_ =	sdelay $0x3  }
0x37: {  	[smem:$0x3FB4] =	sst s10  }
0x38: {  	s10 =	sld [smem:$0x3FB5]  }
0x39: {  	_ = 	snop;
	(pc) =	sbr.ind lr, $3  }
0x3a: {  	_ = 	snop  }
0x3b: {  	_ = 	snop  }
0x3c: {  	p2 =	seq.s32 s10, $0x1;
	s10 =	sld [smem:$0x3FB4]  }
0x3d: {  	_ =	shalt  }
0x3e: {  	_ =	shalt  }
0x3f: {  	_ =	shalt  }
0x40: {  	_ =	shalt  }
0x41: {  	_ =	shalt  }
0x42: {  	_ =	shalt  }
0x43: {  	_ =	shalt  }
0x44: {  	_ =	shalt  }
0x45: {  	_ =	shalt  }
0x46: {  	_ =	shalt  }
0x47: {  	_ =	shalt  }
0x48: {  	_ =	shalt  }
0x49: {  	_ =	shalt  }
0x4a: {  	_ =	shalt  }
0x4b: {  	_ =	shalt  }
0x4c: {  	_ =	shalt  }
0x4d: {  	_ =	shalt  }
0x4e: {  	_ =	shalt  }
0x4f: {  	_ =	shalt  }
0x50: {  	_ =	shalt  }
0x51: {  	_ =	shalt  }
0x52: {  	_ =	shalt  }
0x53: {  	_ =	shalt  }
0x54: {  	_ =	shalt  }
0x55: {  	_ =	shalt  }
0x56: {  	_ =	shalt  }
0x57: {  	_ =	shalt  }
0x58: {  	_ =	shalt  }
0x59: {  	_ =	shalt  }
0x5a: {  	_ =	shalt  }
0x5b: {  	_ =	shalt  }
0x5c: {  	_ =	shalt  }
0x5d: {  	_ =	shalt  }
0x5e: {  	_ =	shalt  }
0x5f: {  	_ =	shalt  }
0x60: {  	_ =	shalt  }
0x61: {  	_ =	shalt  }
0x62: {  	_ =	shalt  }
0x63: {  	_ =	shalt  }
0x64: {  	_ =	shalt  }
0x65: {  	_ =	shalt  }
0x66: {  	_ =	shalt  }
0x67: {  	_ =	shalt  }
0x68: {  	_ =	shalt  }
0x69: {  	_ =	shalt  }
0x6a: {  	_ =	shalt  }
0x6b: {  	_ =	shalt  }
0x6c: {  	_ =	shalt  }
0x6d: {  	_ =	shalt  }
0x6e: {  	_ =	shalt  }
0x6f: {  	_ =	shalt  }
0x70: {  	_ =	shalt  }
0x71: {  	_ =	shalt  }
0x72: {  	_ =	shalt  }
0x73: {  	_ =	shalt  }
0x74: {  	_ =	shalt  }
0x75: {  	_ =	shalt  }
0x76: {  	_ =	shalt  }
0x77: {  	_ =	shalt  }
0x78: {  	_ =	shalt  }
0x79: {  	_ =	shalt  }
0x7a: {  	_ =	shalt  }
0x7b: {  	_ =	shalt  }
0x7c: {  	_ =	shalt  }
0x7d: {  	_ =	shalt  }
0x7e: {  	_ =	shalt  }
0x7f: {  	_ =	shalt  }
0x80: {  	_ =	shalt  }
0x81: {  	_ =	shalt  }
0x82: {  	_ =	shalt  }
0x83: {  	_ =	shalt  }
0x84: {  	_ =	shalt  }
0x85: {  	_ =	shalt  }
0x86: {  	_ =	shalt  }
0x87: {  	_ =	shalt  }
.Lfunc_end0:
.L_simem_size_0:
called_computation.1_lowered:
.L_overlay_start_0:
0x88: {  	s2 =	sld [smem:$0x3FD9]  }
0x89: {  	s3 =	sld [smem:$0x3FFE];
	_ =	sdelay $0x1  }
0x8a: {  	s1 =	srdreg.scid  }
0x8b: {  	s0 =	sand.u32 $0x1, s1  }
0x8c: {  	s16 =	sshll.u32 s0, $0xA;
	s2 =	sadd.s32 s3, s2  }
0x8d: {  	s2 =	sadd.s32 s2, s16  }
0x8e: {  	[smem:$0x3FC0] =	sst s2  }
0x8f: {  	_ = 	snop  }
0x90: {  	(tm) =	ssettm $0x1  }
0x91: {  	s17 =	sld [smem:$0x3FFB];
	_ =	sdelay $0x3  }
0x92: {  	_ =	strace s17  }
0x93: {  	s2 =	sld [smem:$0x3FFC];
	_ =	sdelay $0x3  }
0x94: {  	_ =	strace s2  }
0x95: {  	s2 =	sld [smem:$0x3FFD];
	_ =	sdelay $0x3  }
0x96: {  	_ =	strace s2  }
0x97: {  	_ =	strace $0x8FFFFFFF  }
0x98: {  	s18 =	sld [smem:$0x3FDB];
	_ =	sdelay $0x1  }
0x99: {  	s19 =	simm.s32 $_scs_section_size  }
0x9a: {  	s4 =	simm.s32 $_size__tile_overlayer_lowered;
	s5 =	simm.s32 $_tile_overlayer_lowered  }
0x9b: {  	s22 =	simm.s32 $0x1BFF;
	s21 =	sshll.u32 s5, $0x1;
	s2 =	sadd.s32 s19, s18  }
0x9c: {  	s6 =	simm.s32 $0x0;
	s20 =	sshll.u32 s4, $0x1;
	s4 =	sadd.s32 s21, s2  }
0x9d: {  	[timem:s6], [sflag:s22] =	dma.local [hbm:s4], s20  }
0x9e: {  	_ =	swait.ge [sflag:s22], s20  }
0x9f: {  	s3 =	ssub.s32 $0x0, s20;
	[sflag:s22] =	ssyncset.done $0x0  }
0xa0: {  	[sflag:s22] =	ssyncadd.s32 s3;
	_ =	sdelay $0x1  }
0xa1: {  	s23 =	simm.s32 $0x1B8B  }
0xa2: {  	_ =	swait.ge [sflag:s23], $0x1  }
0xa3: {  	[sflag:s23] =	ssyncset.done $0x0  }
0xa4: {  	s25 =	simm.s32 $0x1B8E;
	s24 =	sld [smem:$0x3FFE];
	[sflag:s23] =	ssyncadd.s32 $0xFFFFFFFF  }
0xa5: {  	s26 =	simm.s32 $execute0_lowered;
	[smem:$0x3FD2] =	sst s25  }
0xa6: {  	s4 =	sshll.u32 s26, $0x1;
	_ =	strace $0x80000049;
	[dreg:$0x1] =	wrdreg $0xFFFFFFFF  }
0xa7: {  	s28 =	simm.s32 $_size_execute0_lowered;
	s2 =	sadd.s32 s2, s4;
	[dreg:$0x0] =	wrdreg $0x0  }
0xa8: {  	s4 =	sshll.u32 s28, $0x1;
	[dreg:$0x2] =	wrdreg s2  }
0xa9: {  	[dreg:$0x3] =	wrdreg s4  }
0xaa: {  	[dreg:$0x4] =	wrdreg $0xC0  }
0xab: {  	_ =	task [dreg:s6], $0x5FFFF  }
0xac: {  	[dreg:$0x1] =	wrdreg $0xFFFFFFFF  }
0xad: {  	[dreg:$0x0] =	wrdreg $0x60  }
0xae: {  	[dreg:$0x2] =	wrdreg s24  }
0xaf: {  	[dreg:$0x3] =	wrdreg $0xA9000  }
0xb0: {  	[dreg:$0x4] =	wrdreg $0x9  }
0xb1: {  	_ =	task.clear_ibuf [dreg:s6], $0x5FFFF;
	_ =	strace $0x90000049  }
0xb2: {  	s29 =	simm.s32 $0x9;
	_ =	strace $0x8000004B  }
0xb3: {  	_ =	swait.ge [sflag:s29], $0x1  }
0xb4: {  	[sflag:s29] =	ssyncadd.s32 $0xFFFFFFFF  }
0xb5: {  	_ =	strace $0x9000004B  }
0xb6: {  	_ =	sfence  }
0xb7: {  	s30 =	sld [smem:$0x0];
	_ =	sdelay $0x2  }
0xb8: {  	s31 =	sshll.u32 s1, $0xD;
	s1 =	sshrl.u32 s1, $0x2  }
0xb9: {  	s3 =	sand.u32 $0x4000, s31;
	s1 =	sadd.s32 s1, s30  }
0xba: {  	s0 =	sor.u32 s3, s0;
	s1 =	sshll.u32 s1, $0x11  }
0xbb: {  	s0 =	sor.u32 s1, s0  }
0xbc: {  	s0 =	sadd.s32 $0x8F2B, s0  }
0xbd: {  	[sflag:s0] =	ssyncadd.remote.s32 $0x1  }
0xbe: {  	_ =	sfence.sel $0xFFFF  }
0xbf: {  	[dreg:$0x0] =	wrdreg $0xFFFFFFFF;
	(pc) =	sbr.abs _section_cstart, $3  }
0xc0: {  	[dreg:$0x1] =	wrdreg $0xFFFFFFFF  }
0xc1: {  	_ =	task.clear_ibuf [dreg:s6], $0x2FFFF;
	_ =	strace $0x9FFFFFFF  }
0xc2: {  	(tm) =	ssettm $0x7FFFFFFF  }
0xc3: {  	_ =	shalt  }
tec
execute0_lowered:
.L_overlay_start_1:
0x0: {  	(tag) =	ssettag $0x1  }
0x1: {  	s7 =	rddreg [dreg:$0x0];
	s0 =	srdreg.scid  }
0x2: {  	s2 =	rddreg [dreg:$0x1];
	s1 =	stileid.u32  }
0x3: {  	s3 =	simm.s32 $0x0;
	s17 =	simm.s32 $0x2900;
	s18 =	simm.s32 $0x6900  }
0x4: {  	s21 =	simm.s32 $0x1;
	s22 =	simm.s32 $0x3;
	s23 =	simm.s32 $0x2  }
0x5: {  	s24 =	simm.s32 $0x4;
	s8 =	sand.u32 $0x1, s0;
	s0 =	rddreg [dreg:$0x2]  }
0x6: {  	s25 =	simm.s32 $0x0;
	s9 =	smul.u32 $0x13C00, s1;
	[smem:$0x7FF] =	sst s3  }
0x7: {  	s5 =	sadd.s32 $0x20800, s7;
	s14 =	smul.u32 $0x4F000, s1;
	s19 =	sshll.u32 s1, $0x6  }
0x8: {  	s4 =	sshll.u32 s8, $0x4;
	_ =	strace $0x8000004A;
	s11 =	smul.u32 $0x13C000, s8  }
0x9: {  	s8 =	ssub.s32 $0x2, s8;
	s19 =	sor.u32 $0x1C05, s19;
	s4 =	sor.u32 s1, s4  }
0xa: {  	s6 =	sshrl.u32 s9, $0x3;
	s30 =	sshrl.u32 s8, $0x1;
	s31 =	sshrl.u32 s14, $0x2  }
0xb: {  	s14 =	simm.s32 $0x2800;
	s4 =	smul.u32 $0x2800, s4;
	s12 =	sadd.s32 s6, s7  }
0xc: {  	s6 =	sadd.s32 $0xC800, s7;
	s9 =	sadd.s32 s9, s11;
	s16 =	ssub.s32 s8, s30  }
0xd: {  	s20 =	sadd.s32 s31, s2;
	s9 =	sshrl.u32 s9, $0x3;
	s10 =	sshrl.u32 s4, $0x3  }
0xe: {  	s20 =	sshrl.u32 s20, $0x3;
	s15 =	sadd.s32 s9, s7;
	s13 =	sadd.s32 s10, s7  }
0xf: {  	s7 =	sadd.s32 s6, s10;
	s10 =	sadd.s32 $0x48000, s12;
	s11 =	sadd.s32 $0x6F800, s15  }
0x10: {  	s12 =	smax.u32 s16, $0x1;
	s15 =	simm.s32 $0x2880;
	s16 =	simm.s32 $0x80  }
0x11: {  	s8 =	sadd.s32 $0x16800, s13;
	s9 =	sadd.s32 $0x10, s7;
	s13 =	simm.s32 $0x5  }
.LBB2_1:
0x12: {  	[tilespmem:s3], [sflag:$0x5] =	stream.linear.gather [hbm4b:s8+s3], $0x2800, $0x38;
	[tilespmem:$0x1E500] =	vst v63  }
0x13: {  	_ =	swait.ge [sflag:s13], $0x2800  }
0x14: {  	[sflag:s13] =	ssyncset.done $0x0  }
0x15: {  	[sflag:s13] =	ssyncadd.s32 $0xFFFFD800  }
0x16: {  	[tilespmem:s14], [sflag:$0x3] =	stream.linear.gather [hbm4b:s7+s3], $0x80, $0x38;
	[tilespmem:$0x1E500] =	vst v63  }
0x17: {  	_ = 	snop  }
0x18: {  	[tilespmem:s15], [sflag:$0x4] =	stream.linear.gather [hbm4b:s9+s3], $0x80, $0x38;
	[tilespmem:$0x1E500] =	vst v63  }
0x19: {  	_ = 	snop  }
0x1a: {  	[tilespmem:s17], [sflag:$0x1] =	stream.indirect.gather [hbm4b:s5+s16], $0x80, s3, s16, $0xb8;
	[tilespmem:$0x1E500] =	vst v63  }
0x1b: {  	_ = 	snop  }
0x1c: {  	[tilespmem:s18], [sflag:$0x2] =	stream.indirect.gather [hbm4b:s5+s16], $0x80, s16, s16, $0xb8;
	[tilespmem:$0x1E500] =	vst v63  }
0x1d: {  	[spmem:s20], [sflag:s19] =	dma.local [hbm:s10], $0x2780  }
0x1e: {  	_ =	swait.ge [sflag:s13], $0x2780  }
0x1f: {  	[sflag:s13] =	ssyncset.done $0x0  }
0x20: {  	[sflag:s13] =	ssyncadd.s32 $0xFFFFD880  }
0x21: {  	[bflag:$0x0] =	sbarrier.arrive $0xFFFF  }
0x22: {  	_ =	swait.ge [sflag:s21], $0x4000  }
0x23: {  	[sflag:s21] =	ssyncset.done $0x0  }
0x24: {  	[sflag:s21] =	ssyncadd.s32 $0xFFFFC000  }
0x25: {  	_ =	swait.ge [sflag:s22], $0x80  }
0x26: {  	s26 =	simm.s32 $0x100;
	[sflag:s22] =	ssyncset.done $0x0  }
0x27: {  	s28 =	sand.u32 $0x7C00, s26;
	[sflag:s22] =	ssyncadd.s32 $0xFFFFFF80  }
0x28: {  	[spmem:s2] =	stream.indirect.scatter.add.f32 [tilespmem:s17], [sflag:$0x5], $0x80, s14, s16, $0xb8;
	[tilespmem:$0x1E500] =	vst v63  }
0x29: {  	s29 =	sand.u32 $0x300, s26;
	s28 =	sadd.s32 s4, s28;
	_ =	swait.ge [sflag:s13], $0x4000  }
0x2a: {  	s28 =	sor.u32 s29, s28;
	[sflag:s13] =	ssyncset.done $0x0  }
0x2b: {  	s26 =	simm.s32 $0x100;
	s28 =	sshrl.u32 s28, $0x3;
	[sflag:s13] =	ssyncadd.s32 $0xFFFFC000  }
0x2c: {  	[tilespmem:s17], [sflag:$0x1] =	stream.indirect.gather [hbm4b:s5+s16], $0x80, s26, s16, $0xb8;
	[tilespmem:$0x1E500] =	vst v63  }
0x2d: {  	s28 =	sadd.s32 s6, s28  }
0x2e: {  	[tilespmem:s14], [sflag:$0x3] =	stream.linear.gather [hbm4b:s28+s3], $0x80, $0x38;
	[tilespmem:$0x1E500] =	vst v63  }
0x2f: {  	_ =	swait.ge [sflag:s23], $0x4000  }
0x30: {  	[sflag:s23] =	ssyncset.done $0x0  }
0x31: {  	[sflag:s23] =	ssyncadd.s32 $0xFFFFC000  }
0x32: {  	_ =	swait.ge [sflag:s24], $0x80  }
0x33: {  	s28 =	simm.s32 $0x180;
	[sflag:s24] =	ssyncset.done $0x0  }
0x34: {  	s29 =	sand.u32 $0x7C00, s28;
	[sflag:s24] =	ssyncadd.s32 $0xFFFFFF80  }
0x35: {  	[spmem:s2] =	stream.indirect.scatter.add.f32 [tilespmem:s18], [sflag:$0x5], $0x80, s15, s16, $0xb8;
	[tilespmem:$0x1E500] =	vst v63  }
0x36: {  	s28 =	sand.u32 $0x380, s28;
	s29 =	sadd.s32 s4, s29;
	_ =	swait.ge [sflag:s13], $0x4000  }
0x37: {  	s30 =	simm.s32 $0x180;
	s29 =	sor.u32 s28, s29;
	[sflag:s13] =	ssyncset.done $0x0  }
0x38: {  	s28 =	simm.s32 $0x280;
	s29 =	sshrl.u32 s29, $0x3;
	[sflag:s13] =	ssyncadd.s32 $0xFFFFC000  }
0x39: {  	[tilespmem:s18], [sflag:$0x2] =	stream.indirect.gather [hbm4b:s5+s16], $0x80, s30, s16, $0xb8;
	[tilespmem:$0x1E500] =	vst v63  }
.LBB2_2:
0x3a: {  	p0 =	sne.s32 s28, $0x2780;
	s29 =	sadd.s32 s6, s29;
	s26 =	sadd.s32 $0x100, s26  }
0x3b: {  	[tilespmem:s15], [sflag:$0x4] =	stream.linear.gather [hbm4b:s29+s3], $0x80, $0x38;
	[tilespmem:$0x1E500] =	vst v63  }
0x3c: {  	s29 =	smov.u32 s28;
	s28 =	sadd.s32 $0x100, s28;
	_ =	swait.ge [sflag:s21], $0x4000  }
0x3d: {  	[sflag:s21] =	ssyncset.done $0x0  }
0x3e: {  	[sflag:s21] =	ssyncadd.s32 $0xFFFFC000  }
0x3f: {  	_ =	swait.ge [sflag:s22], $0x80  }
0x40: {  	[sflag:s22] =	ssyncset.done $0x0  }
0x41: {  	s30 =	sadd.s32 $0xFFFFFF80, s29;
	[sflag:s22] =	ssyncadd.s32 $0xFFFFFF80  }
0x42: {  	[spmem:s2] =	stream.indirect.scatter.add.f32 [tilespmem:s17], [sflag:$0x5], $0x80, s14, s16, $0xb8;
	[tilespmem:$0x1E500] =	vst v63  }
0x43: {  	s31 =	sand.u32 $0x7C00, s30;
	_ =	swait.ge [sflag:s13], $0x4000  }
0x44: {  	s30 =	sand.u32 $0x300, s30;
	s31 =	sadd.s32 s4, s31;
	[sflag:s13] =	ssyncset.done $0x0  }
0x45: {  	s30 =	sor.u32 s30, s31;
	[sflag:s13] =	ssyncadd.s32 $0xFFFFC000  }
0x46: {  	[tilespmem:s17], [sflag:$0x1] =	stream.indirect.gather [hbm4b:s5+s16], $0x80, s26, s16, $0xb8;
	[tilespmem:$0x1E500] =	vst v63  }
0x47: {  	s30 =	sshrl.u32 s30, $0x3  }
0x48: {  	s30 =	sadd.s32 s6, s30  }
0x49: {  	[tilespmem:s14], [sflag:$0x3] =	stream.linear.gather [hbm4b:s30+s3], $0x80, $0x38;
	[tilespmem:$0x1E500] =	vst v63  }
0x4a: {  	_ =	swait.ge [sflag:s23], $0x4000  }
0x4b: {  	[sflag:s23] =	ssyncset.done $0x0  }
0x4c: {  	[sflag:s23] =	ssyncadd.s32 $0xFFFFC000  }
0x4d: {  	_ =	swait.ge [sflag:s24], $0x80  }
0x4e: {  	[sflag:s24] =	ssyncset.done $0x0  }
0x4f: {  	s30 =	sand.u32 $0x7C00, s29;
	[sflag:s24] =	ssyncadd.s32 $0xFFFFFF80  }
0x50: {  	[spmem:s2] =	stream.indirect.scatter.add.f32 [tilespmem:s18], [sflag:$0x5], $0x80, s15, s16, $0xb8;
	[tilespmem:$0x1E500] =	vst v63  }
.Ltmp0:
0x51: {  	_ = 	snop;
	(pc) =	sbr.rel @p0 .LBB2_2-.Ltmp0, $4  }
0x52: {  	s29 =	sand.u32 $0x380, s29;
	s30 =	sadd.s32 s4, s30;
	_ =	swait.ge [sflag:s13], $0x4000  }
0x53: {  	s29 =	sor.u32 s29, s30;
	[sflag:s13] =	ssyncset.done $0x0  }
0x54: {  	s30 =	sadd.s32 $0x80, s26;
	s29 =	sshrl.u32 s29, $0x3;
	[sflag:s13] =	ssyncadd.s32 $0xFFFFC000  }
0x55: {  	[tilespmem:s18], [sflag:$0x2] =	stream.indirect.gather [hbm4b:s5+s16], $0x80, s30, s16, $0xb8;
	[tilespmem:$0x1E500] =	vst v63  }
0x56: {  	s26 =	sadd.s32 s6, s29  }
0x57: {  	[tilespmem:s15], [sflag:$0x4] =	stream.linear.gather [hbm4b:s26+s3], $0x80, $0x38;
	[tilespmem:$0x1E500] =	vst v63  }
0x58: {  	_ =	swait.ge [sflag:s21], $0x4000  }
0x59: {  	[sflag:s21] =	ssyncset.done $0x0  }
0x5a: {  	[sflag:s21] =	ssyncadd.s32 $0xFFFFC000  }
0x5b: {  	_ =	swait.ge [sflag:s22], $0x80  }
0x5c: {  	[sflag:s22] =	ssyncset.done $0x0  }
0x5d: {  	[sflag:s22] =	ssyncadd.s32 $0xFFFFFF80  }
0x5e: {  	[spmem:s2] =	stream.indirect.scatter.add.f32 [tilespmem:s17], [sflag:$0x5], $0x80, s14, s16, $0xb8;
	[tilespmem:$0x1E500] =	vst v63  }
0x5f: {  	_ =	swait.ge [sflag:s13], $0x4000  }
0x60: {  	[sflag:s13] =	ssyncset.done $0x0  }
0x61: {  	[sflag:s13] =	ssyncadd.s32 $0xFFFFC000  }
0x62: {  	_ =	swait.ge [sflag:s23], $0x4000  }
0x63: {  	[sflag:s23] =	ssyncset.done $0x0  }
0x64: {  	[sflag:s23] =	ssyncadd.s32 $0xFFFFC000  }
0x65: {  	_ =	swait.ge [sflag:s24], $0x80  }
0x66: {  	[sflag:s24] =	ssyncset.done $0x0  }
0x67: {  	[sflag:s24] =	ssyncadd.s32 $0xFFFFFF80  }
0x68: {  	[spmem:s2] =	stream.indirect.scatter.add.f32 [tilespmem:s18], [sflag:$0x5], $0x80, s15, s16, $0xb8;
	[tilespmem:$0x1E500] =	vst v63  }
0x69: {  	_ =	swait.ge [sflag:s13], $0x4000  }
0x6a: {  	s25 =	sadd.s32 $0x1, s25;
	[sflag:s13] =	ssyncset.done $0x0  }
0x6b: {  	p0 =	sne.s32 s25, s12;
	[sflag:s13] =	ssyncadd.s32 $0xFFFFC000  }
.Ltmp1:
0x6c: {  	[bflag:$0x0] =	sbarrier.arrive $0xFFFF;
	(pc) =	sbr.rel @p0 .LBB2_1-.Ltmp1, $4  }
0x6d: {  	[hbm:s11], [sflag:s19] =	dma.local [spmem:s20], $0x2780  }
0x6e: {  	_ =	swait.ge [sflag:s13], $0x2780  }
0x6f: {  	[sflag:s13] =	ssyncset.done $0x0  }
0x70: {  	[sflag:s13] =	ssyncadd.s32 $0xFFFFD880  }
0x71: {  	_ =	sfence.sel $0x180000  }
0x72: {  	[bflag:$0x0] =	sbarrier.arrive $0xFFFF  }
0x73: {  	p0 =	sne.s32 s1, $0x0;
	_ =	strace $0x9000004A  }
0x74: {  	s0 =	sadd.s32 @!p0 $0x100000, s0;
	[bflag:$0x2] =	sbarrier.arrive $0xFFFF  }
0x75: {  	[sflag:s0] =	ssyncadd.tile.s32 @!p0 $0x1;
	_ =	shalt  }
.Lfunc_end2:
_tile_overlayer_lowered:
.L_overlay_start_2:
0x76: {  	(tag) =	ssettag $0x2  }
0x77: {  	s0 =	rddreg [dreg:$0x0];
	s2 =	stileid.u32  }
0x78: {  	s1 =	rddreg [dreg:$0x1];
	p0 =	sne.s32 s2, $0x0  }
0x79: {  	s3 =	rddreg [dreg:$0x2];
	[bflag:$0x3] =	sbarrier.arrive $0xFFFF;
	s2 =	simm.s32 @!p0 $0x1C05  }
0x7a: {  	[timem:s3], [sflag:s2] =	dma.local @!p0 [hbm:s0], s1  }
0x7b: {  	s0 =	simm.s32 @!p0 $0x5  }
0x7c: {  	_ =	swait.ge @!p0 [sflag:s0], s1  }
0x7d: {  	s1 =	ssub.s32 @!p0 $0x0, s1;
	[sflag:s0] =	ssyncset.done @!p0 $0x0  }
0x7e: {  	[sflag:s0] =	ssyncadd.s32 @!p0 s1  }
0x7f: {  	[bflag:$0x3] =	sbarrier.arrive $0xFFFF  }
0x80: {  	_ =	shalt  }

// kernel: kernel.14.cloned.1.call-start
scs
__scs_entry_jumppad:
0x0: {  	(pc) =	sbr.rel $0x88, $3  }
0x1: {  	(tag) =	ssettag $0x0;
	lr =	simm.s32 $0x1  }
0x2: {  	[smem:$0x3F99] =	sst lr;
	_ =	strace $0xD0000000  }
0x3: {  	_ = 	snop  }
0x4: {  	_ = 	snop  }
0x5: {  	_ = 	snop  }
0x6: {  	_ = 	snop  }
0x7: {  	_ = 	snop  }
__scs_overlays_trampoline_lowered:
0x8: {  	[smem:$0x3FA8] =	sst s0  }
0x9: {  	[smem:$0x3FA9] =	sst s1  }
0xa: {  	[smem:$0x3FAA] =	sst s2  }
0xb: {  	[smem:$0x3FAB] =	sst s3  }
0xc: {  	[smem:$0x3FAC] =	sst s4  }
0xd: {  	[smem:$0x3FAD] =	sst s5  }
0xe: {  	[smem:$0x3FAE] =	sst s6  }
0xf: {  	[smem:$0x3FAF] =	sst s7  }
0x10: {  	[smem:$0x3FB0] =	sst s8  }
0x11: {  	[smem:$0x3FB1] =	sst s9;
	s0 =	simm.s32 @!p0 $0x0  }
0x12: {  	s1 =	sld [smem:$0x3F97];
	s0 =	simm.s32 @p0 $0x1  }
0x13: {  	[smem:$0x3FB2] =	sst s0;
	s0 =	simm.s32 @!p1 $0x0  }
0x14: {  	s2 =	sld [smem:$0x3F96];
	s0 =	simm.s32 @p1 $0x1  }
0x15: {  	[smem:$0x3FB3] =	sst s0;
	s0 =	simm.s32 @!p2 $0x0  }
0x16: {  	s3 =	sld [smem:$0x3FDB];
	s0 =	simm.s32 @p2 $0x1  }
0x17: {  	s4 =	simm.s32 $0x1BF5;
	[smem:$0x3FB5] =	sst s0  }
0x18: {  	s0 =	sld [smem:$0x3F98];
	_ =	swait.ge [sflag:s4], $0x0  }
0x19: {  	s7 =	sld [smem:$0x3F99]  }
0x1a: {  	s8 =	sadd.s32 $0xFFFFE003, lr  }
0x1b: {  	s9 =	sadd.s32 $0xFFFFFEF7, lr;
	s5 =	simm.s32 $0xFFFFFFFF;
	p2 =	slt.u32 s8, $0xFFFFF086  }
0x1c: {  	p1 =	slt.u32 s9, $0xF7A;
	s5 =	simm.s32 @!p2 $0x0  }
0x1d: {  	s5 =	simm.s32 @p1 $0x1;
	p0 =	seq.s32 s7, s2  }
0x1e: {  	s7 =	smul.u32 @!p0 $0xF7A, s2;
	p2 =	seq.s32 @!p0 s5, $0x0  }
0x1f: {  	s9 =	smul.u32 $0xF7A, s1;
	s8 =	simm.s32 @!p0 $0x1BF5;
	p2 =	por !p2, p0  }
0x20: {  	[sflag:s8] =	ssyncset.s32 @!p0 $0xFFFFF086;
	s6 =	sadd.s32 @!p0 s3, s7;
	s7 =	simm.s32 @!p0 $0x108  }
0x21: {  	s3 =	sadd.s32 s3, s9;
	s6 =	sadd.s32 @!p0 $0x88, s6;
	s7 =	simm.s32 @p2 $0x1082  }
0x22: {  	[simem:s7], [sflag:s8] =	dma.local @!p0 [hbm:s6], $0xF7A  }
0x23: {  	s9 =	sor.u32 $0xD0000000, s2;
	s6 =	simm.s32 $0x108;
	_ =	swait.ge @!p0 [sflag:s8], $0x0  }
0x24: {  	s3 =	sadd.s32 $0x88, s3;
	s6 =	simm.s32 @!p1 $0x1082;
	[sflag:s4] =	ssyncset.s32 $0xFFFFF086  }
0x25: {  	[simem:s6], [sflag:s4] =	dma.local [hbm:s3], $0xF7A  }
0x26: {  	[smem:$0x3F99] =	sst s1;
	(tag) =	ssettag s2;
	_ =	strace s9  }
0x27: {  	s1 =	sld [smem:$0x3FA9]  }
0x28: {  	s2 =	sld [smem:$0x3FAA]  }
0x29: {  	s4 =	sld [smem:$0x3FAC]  }
0x2a: {  	p0 =	seq.s32 s5, $0x0;
	s5 =	sld [smem:$0x3FAD]  }
0x2b: {  	s6 =	sld [smem:$0x3FAE]  }
0x2c: {  	s7 =	sld [smem:$0x3FAF]  }
0x2d: {  	s3 =	simm.s32 $0x108;
	s8 =	sld [smem:$0x3FB0]  }
0x2e: {  	s3 =	simm.s32 @!p0 $0x1082;
	s9 =	sld [smem:$0x3FB1]  }
0x2f: {  	lr =	sadd.s32 s0, s3;
	s0 =	sld [smem:$0x3FA8]  }
0x30: {  	s3 =	sld [smem:$0x3FAB]  }
0x31: {  	[smem:$0x3FB4] =	sst s10  }
0x32: {  	s10 =	sld [smem:$0x3FB2];
	_ =	sdelay $0x3  }
0x33: {  	p0 =	seq.s32 s10, $0x1;
	s10 =	sld [smem:$0x3FB4];
	_ =	sdelay $0x3  }
0x34: {  	[smem:$0x3FB4] =	sst s10  }
0x35: {  	s10 =	sld [smem:$0x3FB3];
	_ =	sdelay $0x3  }
0x36: {  	p1 =	seq.s32 s10, $0x1;
	s10 =	sld [smem:$0x3FB4];
	_ =	sdelay $0x3  }
0x37: {  	[smem:$0x3FB4] =	sst s10  }
0x38: {  	s10 =	sld [smem:$0x3FB5]  }
0x39: {  	_ = 	snop;
	(pc) =	sbr.ind lr, $3  }
0x3a: {  	_ = 	snop  }
0x3b: {  	_ = 	snop  }
0x3c: {  	p2 =	seq.s32 s10, $0x1;
	s10 =	sld [smem:$0x3FB4]  }
0x3d: {  	_ =	shalt  }
0x3e: {  	_ =	shalt  }
0x3f: {  	_ =	shalt  }
0x40: {  	_ =	shalt  }
0x41: {  	_ =	shalt  }
0x42: {  	_ =	shalt  }
0x43: {  	_ =	shalt  }
0x44: {  	_ =	shalt  }
0x45: {  	_ =	shalt  }
0x46: {  	_ =	shalt  }
0x47: {  	_ =	shalt  }
0x48: {  	_ =	shalt  }
0x49: {  	_ =	shalt  }
0x4a: {  	_ =	shalt  }
0x4b: {  	_ =	shalt  }
0x4c: {  	_ =	shalt  }
0x4d: {  	_ =	shalt  }
0x4e: {  	_ =	shalt  }
0x4f: {  	_ =	shalt  }
0x50: {  	_ =	shalt  }
0x51: {  	_ =	shalt  }
0x52: {  	_ =	shalt  }
0x53: {  	_ =	shalt  }
0x54: {  	_ =	shalt  }
0x55: {  	_ =	shalt  }
0x56: {  	_ =	shalt  }
0x57: {  	_ =	shalt  }
0x58: {  	_ =	shalt  }
0x59: {  	_ =	shalt  }
0x5a: {  	_ =	shalt  }
0x5b: {  	_ =	shalt  }
0x5c: {  	_ =	shalt  }
0x5d: {  	_ =	shalt  }
0x5e: {  	_ =	shalt  }
0x5f: {  	_ =	shalt  }
0x60: {  	_ =	shalt  }
0x61: {  	_ =	shalt  }
0x62: {  	_ =	shalt  }
0x63: {  	_ =	shalt  }
0x64: {  	_ =	shalt  }
0x65: {  	_ =	shalt  }
0x66: {  	_ =	shalt  }
0x67: {  	_ =	shalt  }
0x68: {  	_ =	shalt  }
0x69: {  	_ =	shalt  }
0x6a: {  	_ =	shalt  }
0x6b: {  	_ =	shalt  }
0x6c: {  	_ =	shalt  }
0x6d: {  	_ =	shalt  }
0x6e: {  	_ =	shalt  }
0x6f: {  	_ =	shalt  }
0x70: {  	_ =	shalt  }
0x71: {  	_ =	shalt  }
0x72: {  	_ =	shalt  }
0x73: {  	_ =	shalt  }
0x74: {  	_ =	shalt  }
0x75: {  	_ =	shalt  }
0x76: {  	_ =	shalt  }
0x77: {  	_ =	shalt  }
0x78: {  	_ =	shalt  }
0x79: {  	_ =	shalt  }
0x7a: {  	_ =	shalt  }
0x7b: {  	_ =	shalt  }
0x7c: {  	_ =	shalt  }
0x7d: {  	_ =	shalt  }
0x7e: {  	_ =	shalt  }
0x7f: {  	_ =	shalt  }
0x80: {  	_ =	shalt  }
0x81: {  	_ =	shalt  }
0x82: {  	_ =	shalt  }
0x83: {  	_ =	shalt  }
0x84: {  	_ =	shalt  }
0x85: {  	_ =	shalt  }
0x86: {  	_ =	shalt  }
0x87: {  	_ =	shalt  }
.Lfunc_end0:
.L_simem_size_0:
called_computation.2_lowered:
.L_overlay_start_0:
0x88: {  	s2 =	sld [smem:$0x3FD9]  }
0x89: {  	s3 =	sld [smem:$0x3FFE];
	_ =	sdelay $0x1  }
0x8a: {  	s1 =	srdreg.scid  }
0x8b: {  	s0 =	sand.u32 $0x1, s1  }
0x8c: {  	s16 =	sshll.u32 s0, $0xA;
	s2 =	sadd.s32 s3, s2  }
0x8d: {  	s2 =	sadd.s32 s2, s16  }
0x8e: {  	[smem:$0x3FC0] =	sst s2  }
0x8f: {  	_ = 	snop  }
0x90: {  	(tm) =	ssettm $0x1  }
0x91: {  	s17 =	sld [smem:$0x3FFB];
	_ =	sdelay $0x3  }
0x92: {  	_ =	strace s17  }
0x93: {  	s2 =	sld [smem:$0x3FFC];
	_ =	sdelay $0x3  }
0x94: {  	_ =	strace s2  }
0x95: {  	s2 =	sld [smem:$0x3FFD];
	_ =	sdelay $0x3  }
0x96: {  	_ =	strace s2  }
0x97: {  	_ =	strace $0x8FFFFFFF  }
0x98: {  	s18 =	sld [smem:$0x3FDB];
	_ =	sdelay $0x1  }
0x99: {  	s19 =	simm.s32 $_scs_section_size  }
0x9a: {  	s4 =	simm.s32 $_size__tile_overlayer_lowered;
	s5 =	simm.s32 $_tile_overlayer_lowered  }
0x9b: {  	s22 =	simm.s32 $0x1BFF;
	s21 =	sshll.u32 s5, $0x1;
	s2 =	sadd.s32 s19, s18  }
0x9c: {  	s6 =	simm.s32 $0x0;
	s20 =	sshll.u32 s4, $0x1;
	s4 =	sadd.s32 s21, s2  }
0x9d: {  	[timem:s6], [sflag:s22] =	dma.local [hbm:s4], s20  }
0x9e: {  	_ =	swait.ge [sflag:s22], s20  }
0x9f: {  	s3 =	ssub.s32 $0x0, s20;
	[sflag:s22] =	ssyncset.done $0x0  }
0xa0: {  	[sflag:s22] =	ssyncadd.s32 s3;
	_ =	sdelay $0x1  }
0xa1: {  	s23 =	simm.s32 $0x1B8B  }
0xa2: {  	_ =	swait.ge [sflag:s23], $0x1  }
0xa3: {  	[sflag:s23] =	ssyncset.done $0x0  }
0xa4: {  	s25 =	simm.s32 $0x1B8E;
	s24 =	sld [smem:$0x3FFE];
	[sflag:s23] =	ssyncadd.s32 $0xFFFFFFFF  }
0xa5: {  	s26 =	simm.s32 $execute0_lowered;
	[smem:$0x3FD2] =	sst s25  }
0xa6: {  	s4 =	sshll.u32 s26, $0x1;
	_ =	strace $0x8000004C;
	[dreg:$0x1] =	wrdreg $0xFFFFFFFF  }
0xa7: {  	s28 =	simm.s32 $_size_execute0_lowered;
	s2 =	sadd.s32 s2, s4;
	[dreg:$0x0] =	wrdreg $0x0  }
0xa8: {  	s4 =	sshll.u32 s28, $0x1;
	[dreg:$0x2] =	wrdreg s2  }
0xa9: {  	[dreg:$0x3] =	wrdreg s4  }
0xaa: {  	[dreg:$0x4] =	wrdreg $0xC0  }
0xab: {  	_ =	task [dreg:s6], $0x5FFFF  }
0xac: {  	[dreg:$0x1] =	wrdreg $0xFFFFFFFF  }
0xad: {  	[dreg:$0x0] =	wrdreg $0x60  }
0xae: {  	[dreg:$0x2] =	wrdreg s24  }
0xaf: {  	[dreg:$0x3] =	wrdreg $0xA9000  }
0xb0: {  	[dreg:$0x4] =	wrdreg $0x9  }
0xb1: {  	_ =	task.clear_ibuf [dreg:s6], $0x5FFFF;
	_ =	strace $0x9000004C  }
0xb2: {  	s29 =	simm.s32 $0x9;
	_ =	strace $0x8000004E  }
0xb3: {  	_ =	swait.ge [sflag:s29], $0x1  }
0xb4: {  	[sflag:s29] =	ssyncadd.s32 $0xFFFFFFFF  }
0xb5: {  	_ =	strace $0x9000004E  }
0xb6: {  	_ =	sfence  }
0xb7: {  	s30 =	sld [smem:$0x0];
	_ =	sdelay $0x2  }
0xb8: {  	s31 =	sshll.u32 s1, $0xD;
	s1 =	sshrl.u32 s1, $0x2  }
0xb9: {  	s3 =	sand.u32 $0x4000, s31;
	s1 =	sadd.s32 s1, s30  }
0xba: {  	s0 =	sor.u32 s3, s0;
	s1 =	sshll.u32 s1, $0x11  }
0xbb: {  	s0 =	sor.u32 s1, s0  }
0xbc: {  	s0 =	sadd.s32 $0x8F2B, s0  }
0xbd: {  	[sflag:s0] =	ssyncadd.remote.s32 $0x1  }
0xbe: {  	_ =	sfence.sel $0xFFFF  }
0xbf: {  	[dreg:$0x0] =	wrdreg $0xFFFFFFFF;
	(pc) =	sbr.abs _section_cstart, $3  }
0xc0: {  	[dreg:$0x1] =	wrdreg $0xFFFFFFFF  }
0xc1: {  	_ =	task.clear_ibuf [dreg:s6], $0x2FFFF;
	_ =	strace $0x9FFFFFFF  }
0xc2: {  	(tm) =	ssettm $0x7FFFFFFF  }
0xc3: {  	_ =	shalt  }
tec
execute0_lowered:
.L_overlay_start_1:
0x0: {  	(tag) =	ssettag $0x1  }
0x1: {  	s7 =	rddreg [dreg:$0x0];
	s0 =	srdreg.scid  }
0x2: {  	s2 =	rddreg [dreg:$0x1];
	s1 =	stileid.u32  }
0x3: {  	s3 =	simm.s32 $0x0;
	s17 =	simm.s32 $0x2900;
	s18 =	simm.s32 $0x6900  }
0x4: {  	s21 =	simm.s32 $0x1;
	s22 =	simm.s32 $0x3;
	s23 =	simm.s32 $0x2  }
0x5: {  	s24 =	simm.s32 $0x4;
	s8 =	sand.u32 $0x1, s0;
	s0 =	rddreg [dreg:$0x2]  }
0x6: {  	s25 =	simm.s32 $0x0;
	s9 =	smul.u32 $0x13C00, s1;
	[smem:$0x7FF] =	sst s3  }
0x7: {  	s5 =	sadd.s32 $0x20800, s7;
	s14 =	smul.u32 $0x4F000, s1;
	s19 =	sshll.u32 s1, $0x6  }
0x8: {  	s4 =	sshll.u32 s8, $0x4;
	_ =	strace $0x8000004D;
	s11 =	smul.u32 $0x13C000, s8  }
0x9: {  	s8 =	ssub.s32 $0x2, s8;
	s19 =	sor.u32 $0x1C05, s19;
	s4 =	sor.u32 s1, s4  }
0xa: {  	s6 =	sshrl.u32 s9, $0x3;
	s30 =	sshrl.u32 s8, $0x1;
	s31 =	sshrl.u32 s14, $0x2  }
0xb: {  	s14 =	simm.s32 $0x2800;
	s4 =	smul.u32 $0x2800, s4;
	s12 =	sadd.s32 s6, s7  }
0xc: {  	s6 =	sadd.s32 $0xC800, s7;
	s9 =	sadd.s32 s9, s11;
	s16 =	ssub.s32 s8, s30  }
0xd: {  	s20 =	sadd.s32 s31, s2;
	s9 =	sshrl.u32 s9, $0x3;
	s10 =	sshrl.u32 s4, $0x3  }
0xe: {  	s20 =	sshrl.u32 s20, $0x3;
	s15 =	sadd.s32 s9, s7;
	s13 =	sadd.s32 s10, s7  }
0xf: {  	s7 =	sadd.s32 s6, s10;
	s10 =	sadd.s32 $0x48000, s12;
	s11 =	sadd.s32 $0x6F800, s15  }
0x10: {  	s12 =	smax.u32 s16, $0x1;
	s15 =	simm.s32 $0x2880;
	s16 =	simm.s32 $0x80  }
0x11: {  	s8 =	sadd.s32 $0x16800, s13;
	s9 =	sadd.s32 $0x10, s7;
	s13 =	simm.s32 $0x5  }
.LBB2_1:
0x12: {  	[tilespmem:s3], [sflag:$0x5] =	stream.linear.gather [hbm4b:s8+s3], $0x2800, $0x38;
	[tilespmem:$0x1E500] =	vst v63  }
0x13: {  	_ =	swait.ge [sflag:s13], $0x2800  }
0x14: {  	[sflag:s13] =	ssyncset.done $0x0  }
0x15: {  	[sflag:s13] =	ssyncadd.s32 $0xFFFFD800  }
0x16: {  	[tilespmem:s14], [sflag:$0x3] =	stream.linear.gather [hbm4b:s7+s3], $0x80, $0x38;
	[tilespmem:$0x1E500] =	vst v63  }
0x17: {  	_ = 	snop  }
0x18: {  	[tilespmem:s15], [sflag:$0x4] =	stream.linear.gather [hbm4b:s9+s3], $0x80, $0x38;
	[tilespmem:$0x1E500] =	vst v63  }
0x19: {  	_ = 	snop  }
0x1a: {  	[tilespmem:s17], [sflag:$0x1] =	stream.indirect.gather [hbm4b:s5+s16], $0x80, s3, s16, $0xb8;
	[tilespmem:$0x1E500] =	vst v63  }
0x1b: {  	_ = 	snop  }
0x1c: {  	[tilespmem:s18], [sflag:$0x2] =	stream.indirect.gather [hbm4b:s5+s16], $0x80, s16, s16, $0xb8;
	[tilespmem:$0x1E500] =	vst v63  }
0x1d: {  	[spmem:s20], [sflag:s19] =	dma.local [hbm:s10], $0x2780  }
0x1e: {  	_ =	swait.ge [sflag:s13], $0x2780  }
0x1f: {  	[sflag:s13] =	ssyncset.done $0x0  }
0x20: {  	[sflag:s13] =	ssyncadd.s32 $0xFFFFD880  }
0x21: {  	[bflag:$0x0] =	sbarrier.arrive $0xFFFF  }
0x22: {  	_ =	swait.ge [sflag:s21], $0x4000  }
0x23: {  	[sflag:s21] =	ssyncset.done $0x0  }
0x24: {  	[sflag:s21] =	ssyncadd.s32 $0xFFFFC000  }
0x25: {  	_ =	swait.ge [sflag:s22], $0x80  }
0x26: {  	s26 =	simm.s32 $0x100;
	[sflag:s22] =	ssyncset.done $0x0  }
0x27: {  	s28 =	sand.u32 $0x7C00, s26;
	[sflag:s22] =	ssyncadd.s32 $0xFFFFFF80  }
0x28: {  	[spmem:s2] =	stream.indirect.scatter.add.f32 [tilespmem:s17], [sflag:$0x5], $0x80, s14, s16, $0xb8;
	[tilespmem:$0x1E500] =	vst v63  }
0x29: {  	s29 =	sand.u32 $0x300, s26;
	s28 =	sadd.s32 s4, s28;
	_ =	swait.ge [sflag:s13], $0x4000  }
0x2a: {  	s28 =	sor.u32 s29, s28;
	[sflag:s13] =	ssyncset.done $0x0  }
0x2b: {  	s26 =	simm.s32 $0x100;
	s28 =	sshrl.u32 s28, $0x3;
	[sflag:s13] =	ssyncadd.s32 $0xFFFFC000  }
0x2c: {  	[tilespmem:s17], [sflag:$0x1] =	stream.indirect.gather [hbm4b:s5+s16], $0x80, s26, s16, $0xb8;
	[tilespmem:$0x1E500] =	vst v63  }
0x2d: {  	s28 =	sadd.s32 s6, s28  }
0x2e: {  	[tilespmem:s14], [sflag:$0x3] =	stream.linear.gather [hbm4b:s28+s3], $0x80, $0x38;
	[tilespmem:$0x1E500] =	vst v63  }
0x2f: {  	_ =	swait.ge [sflag:s23], $0x4000  }
0x30: {  	[sflag:s23] =	ssyncset.done $0x0  }
0x31: {  	[sflag:s23] =	ssyncadd.s32 $0xFFFFC000  }
0x32: {  	_ =	swait.ge [sflag:s24], $0x80  }
0x33: {  	s28 =	simm.s32 $0x180;
	[sflag:s24] =	ssyncset.done $0x0  }
0x34: {  	s29 =	sand.u32 $0x7C00, s28;
	[sflag:s24] =	ssyncadd.s32 $0xFFFFFF80  }
0x35: {  	[spmem:s2] =	stream.indirect.scatter.add.f32 [tilespmem:s18], [sflag:$0x5], $0x80, s15, s16, $0xb8;
	[tilespmem:$0x1E500] =	vst v63  }
0x36: {  	s28 =	sand.u32 $0x380, s28;
	s29 =	sadd.s32 s4, s29;
	_ =	swait.ge [sflag:s13], $0x4000  }
0x37: {  	s30 =	simm.s32 $0x180;
	s29 =	sor.u32 s28, s29;
	[sflag:s13] =	ssyncset.done $0x0  }
0x38: {  	s28 =	simm.s32 $0x280;
	s29 =	sshrl.u32 s29, $0x3;
	[sflag:s13] =	ssyncadd.s32 $0xFFFFC000  }
0x39: {  	[tilespmem:s18], [sflag:$0x2] =	stream.indirect.gather [hbm4b:s5+s16], $0x80, s30, s16, $0xb8;
	[tilespmem:$0x1E500] =	vst v63  }
.LBB2_2:
0x3a: {  	p0 =	sne.s32 s28, $0x2780;
	s29 =	sadd.s32 s6, s29;
	s26 =	sadd.s32 $0x100, s26  }
0x3b: {  	[tilespmem:s15], [sflag:$0x4] =	stream.linear.gather [hbm4b:s29+s3], $0x80, $0x38;
	[tilespmem:$0x1E500] =	vst v63  }
0x3c: {  	s29 =	smov.u32 s28;
	s28 =	sadd.s32 $0x100, s28;
	_ =	swait.ge [sflag:s21], $0x4000  }
0x3d: {  	[sflag:s21] =	ssyncset.done $0x0  }
0x3e: {  	[sflag:s21] =	ssyncadd.s32 $0xFFFFC000  }
0x3f: {  	_ =	swait.ge [sflag:s22], $0x80  }
0x40: {  	[sflag:s22] =	ssyncset.done $0x0  }
0x41: {  	s30 =	sadd.s32 $0xFFFFFF80, s29;
	[sflag:s22] =	ssyncadd.s32 $0xFFFFFF80  }
0x42: {  	[spmem:s2] =	stream.indirect.scatter.add.f32 [tilespmem:s17], [sflag:$0x5], $0x80, s14, s16, $0xb8;
	[tilespmem:$0x1E500] =	vst v63  }
0x43: {  	s31 =	sand.u32 $0x7C00, s30;
	_ =	swait.ge [sflag:s13], $0x4000  }
0x44: {  	s30 =	sand.u32 $0x300, s30;
	s31 =	sadd.s32 s4, s31;
	[sflag:s13] =	ssyncset.done $0x0  }
0x45: {  	s30 =	sor.u32 s30, s31;
	[sflag:s13] =	ssyncadd.s32 $0xFFFFC000  }
0x46: {  	[tilespmem:s17], [sflag:$0x1] =	stream.indirect.gather [hbm4b:s5+s16], $0x80, s26, s16, $0xb8;
	[tilespmem:$0x1E500] =	vst v63  }
0x47: {  	s30 =	sshrl.u32 s30, $0x3  }
0x48: {  	s30 =	sadd.s32 s6, s30  }
0x49: {  	[tilespmem:s14], [sflag:$0x3] =	stream.linear.gather [hbm4b:s30+s3], $0x80, $0x38;
	[tilespmem:$0x1E500] =	vst v63  }
0x4a: {  	_ =	swait.ge [sflag:s23], $0x4000  }
0x4b: {  	[sflag:s23] =	ssyncset.done $0x0  }
0x4c: {  	[sflag:s23] =	ssyncadd.s32 $0xFFFFC000  }
0x4d: {  	_ =	swait.ge [sflag:s24], $0x80  }
0x4e: {  	[sflag:s24] =	ssyncset.done $0x0  }
0x4f: {  	s30 =	sand.u32 $0x7C00, s29;
	[sflag:s24] =	ssyncadd.s32 $0xFFFFFF80  }
0x50: {  	[spmem:s2] =	stream.indirect.scatter.add.f32 [tilespmem:s18], [sflag:$0x5], $0x80, s15, s16, $0xb8;
	[tilespmem:$0x1E500] =	vst v63  }
.Ltmp0:
0x51: {  	_ = 	snop;
	(pc) =	sbr.rel @p0 .LBB2_2-.Ltmp0, $4  }
0x52: {  	s29 =	sand.u32 $0x380, s29;
	s30 =	sadd.s32 s4, s30;
	_ =	swait.ge [sflag:s13], $0x4000  }
0x53: {  	s29 =	sor.u32 s29, s30;
	[sflag:s13] =	ssyncset.done $0x0  }
0x54: {  	s30 =	sadd.s32 $0x80, s26;
	s29 =	sshrl.u32 s29, $0x3;
	[sflag:s13] =	ssyncadd.s32 $0xFFFFC000  }
0x55: {  	[tilespmem:s18], [sflag:$0x2] =	stream.indirect.gather [hbm4b:s5+s16], $0x80, s30, s16, $0xb8;
	[tilespmem:$0x1E500] =	vst v63  }
0x56: {  	s26 =	sadd.s32 s6, s29  }
0x57: {  	[tilespmem:s15], [sflag:$0x4] =	stream.linear.gather [hbm4b:s26+s3], $0x80, $0x38;
	[tilespmem:$0x1E500] =	vst v63  }
0x58: {  	_ =	swait.ge [sflag:s21], $0x4000  }
0x59: {  	[sflag:s21] =	ssyncset.done $0x0  }
0x5a: {  	[sflag:s21] =	ssyncadd.s32 $0xFFFFC000  }
0x5b: {  	_ =	swait.ge [sflag:s22], $0x80  }
0x5c: {  	[sflag:s22] =	ssyncset.done $0x0  }
0x5d: {  	[sflag:s22] =	ssyncadd.s32 $0xFFFFFF80  }
0x5e: {  	[spmem:s2] =	stream.indirect.scatter.add.f32 [tilespmem:s17], [sflag:$0x5], $0x80, s14, s16, $0xb8;
	[tilespmem:$0x1E500] =	vst v63  }
0x5f: {  	_ =	swait.ge [sflag:s13], $0x4000  }
0x60: {  	[sflag:s13] =	ssyncset.done $0x0  }
0x61: {  	[sflag:s13] =	ssyncadd.s32 $0xFFFFC000  }
0x62: {  	_ =	swait.ge [sflag:s23], $0x4000  }
0x63: {  	[sflag:s23] =	ssyncset.done $0x0  }
0x64: {  	[sflag:s23] =	ssyncadd.s32 $0xFFFFC000  }
0x65: {  	_ =	swait.ge [sflag:s24], $0x80  }
0x66: {  	[sflag:s24] =	ssyncset.done $0x0  }
0x67: {  	[sflag:s24] =	ssyncadd.s32 $0xFFFFFF80  }
0x68: {  	[spmem:s2] =	stream.indirect.scatter.add.f32 [tilespmem:s18], [sflag:$0x5], $0x80, s15, s16, $0xb8;
	[tilespmem:$0x1E500] =	vst v63  }
0x69: {  	_ =	swait.ge [sflag:s13], $0x4000  }
0x6a: {  	s25 =	sadd.s32 $0x1, s25;
	[sflag:s13] =	ssyncset.done $0x0  }
0x6b: {  	p0 =	sne.s32 s25, s12;
	[sflag:s13] =	ssyncadd.s32 $0xFFFFC000  }
.Ltmp1:
0x6c: {  	[bflag:$0x0] =	sbarrier.arrive $0xFFFF;
	(pc) =	sbr.rel @p0 .LBB2_1-.Ltmp1, $4  }
0x6d: {  	[hbm:s11], [sflag:s19] =	dma.local [spmem:s20], $0x2780  }
0x6e: {  	_ =	swait.ge [sflag:s13], $0x2780  }
0x6f: {  	[sflag:s13] =	ssyncset.done $0x0  }
0x70: {  	[sflag:s13] =	ssyncadd.s32 $0xFFFFD880  }
0x71: {  	_ =	sfence.sel $0x180000  }
0x72: {  	[bflag:$0x0] =	sbarrier.arrive $0xFFFF  }
0x73: {  	p0 =	sne.s32 s1, $0x0;
	_ =	strace $0x9000004D  }
0x74: {  	s0 =	sadd.s32 @!p0 $0x100000, s0;
	[bflag:$0x2] =	sbarrier.arrive $0xFFFF  }
0x75: {  	[sflag:s0] =	ssyncadd.tile.s32 @!p0 $0x1;
	_ =	shalt  }
.Lfunc_end2:
_tile_overlayer_lowered:
.L_overlay_start_2:
0x76: {  	(tag) =	ssettag $0x2  }
0x77: {  	s0 =	rddreg [dreg:$0x0];
	s2 =	stileid.u32  }
0x78: {  	s1 =	rddreg [dreg:$0x1];
	p0 =	sne.s32 s2, $0x0  }
0x79: {  	s3 =	rddreg [dreg:$0x2];
	[bflag:$0x3] =	sbarrier.arrive $0xFFFF;
	s2 =	simm.s32 @!p0 $0x1C05  }
0x7a: {  	[timem:s3], [sflag:s2] =	dma.local @!p0 [hbm:s0], s1  }
0x7b: {  	s0 =	simm.s32 @!p0 $0x5  }
0x7c: {  	_ =	swait.ge @!p0 [sflag:s0], s1  }
0x7d: {  	s1 =	ssub.s32 @!p0 $0x0, s1;
	[sflag:s0] =	ssyncset.done @!p0 $0x0  }
0x7e: {  	[sflag:s0] =	ssyncadd.s32 @!p0 s1  }
0x7f: {  	[bflag:$0x3] =	sbarrier.arrive $0xFFFF  }
0x80: {  	_ =	shalt  }

// kernel: kernel.8.cloned.1.call-start
scs
__scs_entry_jumppad:
0x0: {  	(pc) =	sbr.rel $0x88, $3  }
0x1: {  	(tag) =	ssettag $0x0;
	lr =	simm.s32 $0x1  }
0x2: {  	[smem:$0x3F99] =	sst lr;
	_ =	strace $0xD0000000  }
0x3: {  	_ = 	snop  }
0x4: {  	_ = 	snop  }
0x5: {  	_ = 	snop  }
0x6: {  	_ = 	snop  }
0x7: {  	_ = 	snop  }
__scs_overlays_trampoline_lowered:
0x8: {  	[smem:$0x3FA8] =	sst s0  }
0x9: {  	[smem:$0x3FA9] =	sst s1  }
0xa: {  	[smem:$0x3FAA] =	sst s2  }
0xb: {  	[smem:$0x3FAB] =	sst s3  }
0xc: {  	[smem:$0x3FAC] =	sst s4  }
0xd: {  	[smem:$0x3FAD] =	sst s5  }
0xe: {  	[smem:$0x3FAE] =	sst s6  }
0xf: {  	[smem:$0x3FAF] =	sst s7  }
0x10: {  	[smem:$0x3FB0] =	sst s8  }
0x11: {  	[smem:$0x3FB1] =	sst s9;
	s0 =	simm.s32 @!p0 $0x0  }
0x12: {  	s1 =	sld [smem:$0x3F97];
	s0 =	simm.s32 @p0 $0x1  }
0x13: {  	[smem:$0x3FB2] =	sst s0;
	s0 =	simm.s32 @!p1 $0x0  }
0x14: {  	s2 =	sld [smem:$0x3F96];
	s0 =	simm.s32 @p1 $0x1  }
0x15: {  	[smem:$0x3FB3] =	sst s0;
	s0 =	simm.s32 @!p2 $0x0  }
0x16: {  	s3 =	sld [smem:$0x3FDB];
	s0 =	simm.s32 @p2 $0x1  }
0x17: {  	s4 =	simm.s32 $0x1BF5;
	[smem:$0x3FB5] =	sst s0  }
0x18: {  	s0 =	sld [smem:$0x3F98];
	_ =	swait.ge [sflag:s4], $0x0  }
0x19: {  	s7 =	sld [smem:$0x3F99]  }
0x1a: {  	s8 =	sadd.s32 $0xFFFFE003, lr  }
0x1b: {  	s9 =	sadd.s32 $0xFFFFFEF7, lr;
	s5 =	simm.s32 $0xFFFFFFFF;
	p2 =	slt.u32 s8, $0xFFFFF086  }
0x1c: {  	p1 =	slt.u32 s9, $0xF7A;
	s5 =	simm.s32 @!p2 $0x0  }
0x1d: {  	s5 =	simm.s32 @p1 $0x1;
	p0 =	seq.s32 s7, s2  }
0x1e: {  	s7 =	smul.u32 @!p0 $0xF7A, s2;
	p2 =	seq.s32 @!p0 s5, $0x0  }
0x1f: {  	s9 =	smul.u32 $0xF7A, s1;
	s8 =	simm.s32 @!p0 $0x1BF5;
	p2 =	por !p2, p0  }
0x20: {  	[sflag:s8] =	ssyncset.s32 @!p0 $0xFFFFF086;
	s6 =	sadd.s32 @!p0 s3, s7;
	s7 =	simm.s32 @!p0 $0x108  }
0x21: {  	s3 =	sadd.s32 s3, s9;
	s6 =	sadd.s32 @!p0 $0x88, s6;
	s7 =	simm.s32 @p2 $0x1082  }
0x22: {  	[simem:s7], [sflag:s8] =	dma.local @!p0 [hbm:s6], $0xF7A  }
0x23: {  	s9 =	sor.u32 $0xD0000000, s2;
	s6 =	simm.s32 $0x108;
	_ =	swait.ge @!p0 [sflag:s8], $0x0  }
0x24: {  	s3 =	sadd.s32 $0x88, s3;
	s6 =	simm.s32 @!p1 $0x1082;
	[sflag:s4] =	ssyncset.s32 $0xFFFFF086  }
0x25: {  	[simem:s6], [sflag:s4] =	dma.local [hbm:s3], $0xF7A  }
0x26: {  	[smem:$0x3F99] =	sst s1;
	(tag) =	ssettag s2;
	_ =	strace s9  }
0x27: {  	s1 =	sld [smem:$0x3FA9]  }
0x28: {  	s2 =	sld [smem:$0x3FAA]  }
0x29: {  	s4 =	sld [smem:$0x3FAC]  }
0x2a: {  	p0 =	seq.s32 s5, $0x0;
	s5 =	sld [smem:$0x3FAD]  }
0x2b: {  	s6 =	sld [smem:$0x3FAE]  }
0x2c: {  	s7 =	sld [smem:$0x3FAF]  }
0x2d: {  	s3 =	simm.s32 $0x108;
	s8 =	sld [smem:$0x3FB0]  }
0x2e: {  	s3 =	simm.s32 @!p0 $0x1082;
	s9 =	sld [smem:$0x3FB1]  }
0x2f: {  	lr =	sadd.s32 s0, s3;
	s0 =	sld [smem:$0x3FA8]  }
0x30: {  	s3 =	sld [smem:$0x3FAB]  }
0x31: {  	[smem:$0x3FB4] =	sst s10  }
0x32: {  	s10 =	sld [smem:$0x3FB2];
	_ =	sdelay $0x3  }
0x33: {  	p0 =	seq.s32 s10, $0x1;
	s10 =	sld [smem:$0x3FB4];
	_ =	sdelay $0x3  }
0x34: {  	[smem:$0x3FB4] =	sst s10  }
0x35: {  	s10 =	sld [smem:$0x3FB3];
	_ =	sdelay $0x3  }
0x36: {  	p1 =	seq.s32 s10, $0x1;
	s10 =	sld [smem:$0x3FB4];
	_ =	sdelay $0x3  }
0x37: {  	[smem:$0x3FB4] =	sst s10  }
0x38: {  	s10 =	sld [smem:$0x3FB5]  }
0x39: {  	_ = 	snop;
	(pc) =	sbr.ind lr, $3  }
0x3a: {  	_ = 	snop  }
0x3b: {  	_ = 	snop  }
0x3c: {  	p2 =	seq.s32 s10, $0x1;
	s10 =	sld [smem:$0x3FB4]  }
0x3d: {  	_ =	shalt  }
0x3e: {  	_ =	shalt  }
0x3f: {  	_ =	shalt  }
0x40: {  	_ =	shalt  }
0x41: {  	_ =	shalt  }
0x42: {  	_ =	shalt  }
0x43: {  	_ =	shalt  }
0x44: {  	_ =	shalt  }
0x45: {  	_ =	shalt  }
0x46: {  	_ =	shalt  }
0x47: {  	_ =	shalt  }
0x48: {  	_ =	shalt  }
0x49: {  	_ =	shalt  }
0x4a: {  	_ =	shalt  }
0x4b: {  	_ =	shalt  }
0x4c: {  	_ =	shalt  }
0x4d: {  	_ =	shalt  }
0x4e: {  	_ =	shalt  }
0x4f: {  	_ =	shalt  }
0x50: {  	_ =	shalt  }
0x51: {  	_ =	shalt  }
0x52: {  	_ =	shalt  }
0x53: {  	_ =	shalt  }
0x54: {  	_ =	shalt  }
0x55: {  	_ =	shalt  }
0x56: {  	_ =	shalt  }
0x57: {  	_ =	shalt  }
0x58: {  	_ =	shalt  }
0x59: {  	_ =	shalt  }
0x5a: {  	_ =	shalt  }
0x5b: {  	_ =	shalt  }
0x5c: {  	_ =	shalt  }
0x5d: {  	_ =	shalt  }
0x5e: {  	_ =	shalt  }
0x5f: {  	_ =	shalt  }
0x60: {  	_ =	shalt  }
0x61: {  	_ =	shalt  }
0x62: {  	_ =	shalt  }
0x63: {  	_ =	shalt  }
0x64: {  	_ =	shalt  }
0x65: {  	_ =	shalt  }
0x66: {  	_ =	shalt  }
0x67: {  	_ =	shalt  }
0x68: {  	_ =	shalt  }
0x69: {  	_ =	shalt  }
0x6a: {  	_ =	shalt  }
0x6b: {  	_ =	shalt  }
0x6c: {  	_ =	shalt  }
0x6d: {  	_ =	shalt  }
0x6e: {  	_ =	shalt  }
0x6f: {  	_ =	shalt  }
0x70: {  	_ =	shalt  }
0x71: {  	_ =	shalt  }
0x72: {  	_ =	shalt  }
0x73: {  	_ =	shalt  }
0x74: {  	_ =	shalt  }
0x75: {  	_ =	shalt  }
0x76: {  	_ =	shalt  }
0x77: {  	_ =	shalt  }
0x78: {  	_ =	shalt  }
0x79: {  	_ =	shalt  }
0x7a: {  	_ =	shalt  }
0x7b: {  	_ =	shalt  }
0x7c: {  	_ =	shalt  }
0x7d: {  	_ =	shalt  }
0x7e: {  	_ =	shalt  }
0x7f: {  	_ =	shalt  }
0x80: {  	_ =	shalt  }
0x81: {  	_ =	shalt  }
0x82: {  	_ =	shalt  }
0x83: {  	_ =	shalt  }
0x84: {  	_ =	shalt  }
0x85: {  	_ =	shalt  }
0x86: {  	_ =	shalt  }
0x87: {  	_ =	shalt  }
.Lfunc_end0:
.L_simem_size_0:
called_computation_lowered:
.L_overlay_start_0:
0x88: {  	s2 =	sld [smem:$0x3FD9]  }
0x89: {  	s3 =	sld [smem:$0x3FFE];
	_ =	sdelay $0x1  }
0x8a: {  	s1 =	srdreg.scid  }
0x8b: {  	s0 =	sand.u32 $0x1, s1  }
0x8c: {  	s17 =	sshll.u32 s0, $0xA;
	s2 =	sadd.s32 s3, s2  }
0x8d: {  	s2 =	sadd.s32 s2, s17  }
0x8e: {  	[smem:$0x3FC0] =	sst s2  }
0x8f: {  	_ = 	snop  }
0x90: {  	s2 =	sld [smem:$0x3FD0];
	(tm) =	ssettm $0x1  }
0x91: {  	s18 =	sld [smem:$0x3FFB];
	_ =	sdelay $0x3  }
0x92: {  	_ =	strace s18  }
0x93: {  	s3 =	sld [smem:$0x3FFC];
	_ =	sdelay $0x3  }
0x94: {  	_ =	strace s3  }
0x95: {  	s3 =	sld [smem:$0x3FFD];
	_ =	sdelay $0x3  }
0x96: {  	_ =	strace s3  }
0x97: {  	_ =	strace $0x8FFFFFFF  }
0x98: {  	s19 =	sld [smem:$0x3FDB];
	_ =	sdelay $0x1  }
0x99: {  	s4 =	simm.s32 $_scs_section_size  }
0x9a: {  	s5 =	simm.s32 $_size__tile_overlayer_lowered;
	s6 =	simm.s32 $_tile_overlayer_lowered  }
0x9b: {  	s22 =	simm.s32 $0x1BFF;
	s21 =	sshll.u32 s6, $0x1;
	s3 =	sadd.s32 s4, s19  }
0x9c: {  	s7 =	simm.s32 $0x0;
	s20 =	sshll.u32 s5, $0x1;
	s5 =	sadd.s32 s21, s3  }
0x9d: {  	[timem:s7], [sflag:s22] =	dma.local [hbm:s5], s20  }
0x9e: {  	_ =	swait.ge [sflag:s22], s20  }
0x9f: {  	s4 =	ssub.s32 $0x0, s20;
	[sflag:s22] =	ssyncset.done $0x0  }
0xa0: {  	[sflag:s22] =	ssyncadd.s32 s4;
	_ =	sdelay $0x1  }
0xa1: {  	s23 =	simm.s32 $0x1B8B  }
0xa2: {  	_ =	swait.ge [sflag:s23], $0x1  }
0xa3: {  	[sflag:s23] =	ssyncset.done $0x0  }
0xa4: {  	s25 =	simm.s32 $0x1B8E;
	s24 =	sld [smem:$0x3FFE];
	[sflag:s23] =	ssyncadd.s32 $0xFFFFFFFF  }
0xa5: {  	s26 =	simm.s32 $execute0_lowered;
	[smem:$0x3FD2] =	sst s25  }
0xa6: {  	s5 =	sshll.u32 s26, $0x1;
	_ =	strace $0x80000046;
	[dreg:$0x1] =	wrdreg $0xFFFFFFFF  }
0xa7: {  	s28 =	simm.s32 $_size_execute0_lowered;
	s3 =	sadd.s32 s3, s5;
	[dreg:$0x0] =	wrdreg $0x0  }
0xa8: {  	s5 =	sshll.u32 s28, $0x1;
	[dreg:$0x2] =	wrdreg s3  }
0xa9: {  	[dreg:$0x3] =	wrdreg s5  }
0xaa: {  	[dreg:$0x4] =	wrdreg $0xC0  }
0xab: {  	_ =	task [dreg:s7], $0x5FFFF  }
0xac: {  	[dreg:$0x1] =	wrdreg $0xFFFFFFFF  }
0xad: {  	[dreg:$0x0] =	wrdreg $0x60  }
0xae: {  	[dreg:$0x2] =	wrdreg s24  }
0xaf: {  	[dreg:$0x3] =	wrdreg s2  }
0xb0: {  	[dreg:$0x4] =	wrdreg $0x68000  }
0xb1: {  	[dreg:$0x5] =	wrdreg $0x9  }
0xb2: {  	_ =	task.clear_ibuf [dreg:s7], $0x6FFFF;
	_ =	strace $0x90000046  }
0xb3: {  	s29 =	simm.s32 $0x9;
	_ =	strace $0x80000048  }
0xb4: {  	_ =	swait.ge [sflag:s29], $0x1  }
0xb5: {  	[sflag:s29] =	ssyncadd.s32 $0xFFFFFFFF  }
0xb6: {  	_ =	strace $0x90000048  }
0xb7: {  	_ =	sfence  }
0xb8: {  	s30 =	sld [smem:$0x0];
	_ =	sdelay $0x2  }
0xb9: {  	s31 =	sshll.u32 s1, $0xD;
	s1 =	sshrl.u32 s1, $0x2  }
0xba: {  	s3 =	sand.u32 $0x4000, s31;
	s1 =	sadd.s32 s1, s30  }
0xbb: {  	s0 =	sor.u32 s3, s0;
	s1 =	sshll.u32 s1, $0x11  }
0xbc: {  	s0 =	sor.u32 s1, s0  }
0xbd: {  	s0 =	sadd.s32 $0x8F2B, s0  }
0xbe: {  	[sflag:s0] =	ssyncadd.remote.s32 $0x1  }
0xbf: {  	_ =	sfence.sel $0xFFFF  }
0xc0: {  	[dreg:$0x0] =	wrdreg $0xFFFFFFFF;
	(pc) =	sbr.abs _section_cstart, $3  }
0xc1: {  	[dreg:$0x1] =	wrdreg $0xFFFFFFFF  }
0xc2: {  	_ =	task.clear_ibuf [dreg:s7], $0x2FFFF;
	_ =	strace $0x9FFFFFFF  }
0xc3: {  	(tm) =	ssettm $0x7FFFFFFF  }
tec
execute0_lowered:
.L_overlay_start_1:
0x0: {  	(tag) =	ssettag $0x1  }
0x1: {  	s6 =	rddreg [dreg:$0x0]  }
0x2: {  	s2 =	rddreg [dreg:$0x1]  }
0x3: {  	s0 =	srdreg.scid;
	s3 =	rddreg [dreg:$0x2];
	s4 =	simm.s32 $0x0  }
0x4: {  	s13 =	simm.s32 $0x80;
	s14 =	simm.s32 $0x100;
	s15 =	simm.s32 $0x180  }
0x5: {  	s16 =	simm.s32 $0x1;
	s5 =	sand.u32 $0x1, s0;
	s0 =	stileid.u32  }
0x6: {  	s17 =	simm.s32 $0x0;
	[smem:$0x7FF] =	sst s4;
	s8 =	smul.u32 $0x13C00, s0  }
0x7: {  	s1 =	sshll.u32 s5, $0x4;
	s9 =	smul.u32 $0x13C000, s5;
	s5 =	ssub.s32 $0x2, s5  }
0x8: {  	s29 =	smul.u32 $0x4F000, s0;
	s31 =	sshll.u32 s0, $0x6;
	s1 =	sor.u32 s0, s1  }
0x9: {  	s11 =	sshrl.u32 s5, $0x1;
	s7 =	smul.u32 $0x500, s1;
	s1 =	rddreg [dreg:$0x3]  }
0xa: {  	_ =	strace $0x80000047;
	s10 =	sshrl.u32 s8, $0x3;
	s8 =	sadd.s32 s8, s9  }
0xb: {  	s11 =	ssub.s32 s5, s11;
	s30 =	sshrl.u32 s29, $0x2;
	s9 =	simm.s32 $0x2800  }
0xc: {  	s10 =	sadd.s32 s10, s6;
	s8 =	sshrl.u32 s8, $0x3;
	s12 =	sadd.s32 s30, s3  }
0xd: {  	s7 =	sadd.s32 s7, s6;
	s8 =	sadd.s32 s8, s6;
	s6 =	sadd.s32 $0x20800, s10  }
0xe: {  	s10 =	simm.s32 $0x2;
	s12 =	sshrl.u32 s12, $0x3;
	s5 =	sadd.s32 $0x2800, s7  }
0xf: {  	s7 =	sadd.s32 $0x48000, s8;
	s8 =	smax.u32 s11, $0x1;
	s11 =	sor.u32 $0x1C02, s31  }
.LBB2_1:
0x10: {  	[tilespmem:s9], [sflag:$0x2] =	stream.linear.gather [hbm4b:s2+s4], $0x4000, $0x38;
	[tilespmem:$0x1A400] =	vst v63  }
0x11: {  	_ =	swait.ge [sflag:s10], $0x4000  }
0x12: {  	[sflag:s10] =	ssyncset.done $0x0  }
0x13: {  	[sflag:s10] =	ssyncadd.s32 $0xFFFFC000  }
0x14: {  	[tilespmem:s4], [sflag:$0x2] =	stream.linear.gather [hbm4b:s5+s4], $0x2800, $0x38;
	[tilespmem:$0x1A400] =	vst v63  }
0x15: {  	_ =	swait.ge [sflag:s10], $0x2800  }
0x16: {  	[sflag:s10] =	ssyncset.done $0x0  }
0x17: {  	[sflag:s10] =	ssyncadd.s32 $0xFFFFD800  }
0x18: {  	[spmem:s12], [sflag:s11] =	dma.local [hbm:s6], $0x2780  }
0x19: {  	_ =	swait.ge [sflag:s10], $0x2780  }
0x1a: {  	[sflag:s10] =	ssyncset.done $0x0  }
0x1b: {  	[sflag:s10] =	ssyncadd.s32 $0xFFFFD880  }
0x1c: {  	[bflag:$0x0] =	sbarrier.arrive $0xFFFF  }
0x1d: {  	[spmem:s3] =	stream.indirect.scatter.add.f32 [tilespmem:s9], [sflag:$0x1], $0x80, s4, s13, $0xb8;
	[tilespmem:$0x1A400] =	vst v63  }
0x1e: {  	_ = 	snop  }
0x1f: {  	[spmem:s3] =	stream.indirect.scatter.add.f32 [tilespmem:s9], [sflag:$0x1], $0x80, s13, s13, $0xb8;
	[tilespmem:$0x1A400] =	vst v63  }
0x20: {  	_ = 	snop  }
0x21: {  	[spmem:s3] =	stream.indirect.scatter.add.f32 [tilespmem:s9], [sflag:$0x1], $0x80, s14, s13, $0xb8;
	[tilespmem:$0x1A400] =	vst v63  }
0x22: {  	_ = 	snop  }
0x23: {  	[spmem:s3] =	stream.indirect.scatter.add.f32 [tilespmem:s9], [sflag:$0x1], $0x80, s15, s13, $0xb8;
	[tilespmem:$0x1A400] =	vst v63  }
0x24: {  	_ =	swait.ge [sflag:s16], $0x4000  }
0x25: {  	[sflag:s16] =	ssyncset.done $0x0  }
0x26: {  	s18 =	simm.s32 $0x200;
	[sflag:s16] =	ssyncadd.s32 $0xFFFFC000  }
0x27: {  	[spmem:s3] =	stream.indirect.scatter.add.f32 [tilespmem:s9], [sflag:$0x1], $0x80, s18, s13, $0xb8;
	[tilespmem:$0x1A400] =	vst v63  }
0x28: {  	_ =	swait.ge [sflag:s16], $0x4000  }
0x29: {  	[sflag:s16] =	ssyncset.done $0x0  }
0x2a: {  	s30 =	simm.s32 $0x280;
	[sflag:s16] =	ssyncadd.s32 $0xFFFFC000  }
0x2b: {  	[spmem:s3] =	stream.indirect.scatter.add.f32 [tilespmem:s9], [sflag:$0x1], $0x80, s30, s13, $0xb8;
	[tilespmem:$0x1A400] =	vst v63  }
0x2c: {  	_ =	swait.ge [sflag:s16], $0x4000  }
0x2d: {  	[sflag:s16] =	ssyncset.done $0x0  }
0x2e: {  	s31 =	simm.s32 $0x300;
	[sflag:s16] =	ssyncadd.s32 $0xFFFFC000  }
0x2f: {  	[spmem:s3] =	stream.indirect.scatter.add.f32 [tilespmem:s9], [sflag:$0x1], $0x80, s31, s13, $0xb8;
	[tilespmem:$0x1A400] =	vst v63  }
0x30: {  	_ =	swait.ge [sflag:s16], $0x4000  }
0x31: {  	[sflag:s16] =	ssyncset.done $0x0  }
0x32: {  	s19 =	simm.s32 $0x380;
	s18 =	simm.s32 $0xFFFF7000;
	[sflag:s16] =	ssyncadd.s32 $0xFFFFC000  }
.LBB2_2:
0x33: {  	[spmem:s3] =	stream.indirect.scatter.add.f32 [tilespmem:s9], [sflag:$0x1], $0x80, s19, s13, $0xb8;
	[tilespmem:$0x1A400] =	vst v63  }
0x34: {  	s19 =	smov.u32 s18  }
0x35: {  	p0 =	sne.s32 s18, $0xFFFFF800;
	s18 =	sadd.s32 $0x800, s18;
	_ =	swait.ge [sflag:s16], $0x4000  }
0x36: {  	s19 =	sshra.s32 s19, $0x2;
	[sflag:s16] =	ssyncset.done $0x0  }
0x37: {  	s20 =	sadd.s32 $0x2800, s19;
	[sflag:s16] =	ssyncadd.s32 $0xFFFFC000  }
0x38: {  	[spmem:s3] =	stream.indirect.scatter.add.f32 [tilespmem:s9], [sflag:$0x1], $0x80, s20, s13, $0xb8;
	[tilespmem:$0x1A400] =	vst v63  }
0x39: {  	_ =	swait.ge [sflag:s16], $0x4000  }
0x3a: {  	[sflag:s16] =	ssyncset.done $0x0  }
0x3b: {  	s20 =	sadd.s32 $0x2880, s19;
	[sflag:s16] =	ssyncadd.s32 $0xFFFFC000  }
0x3c: {  	[spmem:s3] =	stream.indirect.scatter.add.f32 [tilespmem:s9], [sflag:$0x1], $0x80, s20, s13, $0xb8;
	[tilespmem:$0x1A400] =	vst v63  }
0x3d: {  	_ =	swait.ge [sflag:s16], $0x4000  }
0x3e: {  	[sflag:s16] =	ssyncset.done $0x0  }
.Ltmp0:
0x3f: {  	s20 =	sadd.s32 $0x2900, s19;
	[sflag:s16] =	ssyncadd.s32 $0xFFFFC000;
	(pc) =	sbr.rel @p0 .LBB2_2-.Ltmp0, $4  }
0x40: {  	[spmem:s3] =	stream.indirect.scatter.add.f32 [tilespmem:s9], [sflag:$0x1], $0x80, s20, s13, $0xb8;
	[tilespmem:$0x1A400] =	vst v63  }
0x41: {  	_ =	swait.ge [sflag:s16], $0x4000  }
0x42: {  	[sflag:s16] =	ssyncset.done $0x0  }
0x43: {  	s19 =	sadd.s32 $0x2980, s19;
	[sflag:s16] =	ssyncadd.s32 $0xFFFFC000  }
0x44: {  	[spmem:s3] =	stream.indirect.scatter.add.f32 [tilespmem:s9], [sflag:$0x1], $0x80, s19, s13, $0xb8;
	[tilespmem:$0x1A400] =	vst v63  }
0x45: {  	_ =	swait.ge [sflag:s16], $0x4000  }
0x46: {  	[sflag:s16] =	ssyncset.done $0x0  }
0x47: {  	[sflag:s16] =	ssyncadd.s32 $0xFFFFC000  }
0x48: {  	_ =	swait.ge [sflag:s16], $0x4000  }
0x49: {  	[sflag:s16] =	ssyncset.done $0x0  }
0x4a: {  	[sflag:s16] =	ssyncadd.s32 $0xFFFFC000  }
0x4b: {  	_ =	swait.ge [sflag:s16], $0x4000  }
0x4c: {  	[sflag:s16] =	ssyncset.done $0x0  }
0x4d: {  	[sflag:s16] =	ssyncadd.s32 $0xFFFFC000  }
0x4e: {  	_ =	swait.ge [sflag:s16], $0x4000  }
0x4f: {  	s17 =	sadd.s32 $0x1, s17;
	[sflag:s16] =	ssyncset.done $0x0  }
0x50: {  	p0 =	sne.s32 s17, s8;
	[sflag:s16] =	ssyncadd.s32 $0xFFFFC000  }
.Ltmp1:
0x51: {  	[bflag:$0x0] =	sbarrier.arrive $0xFFFF;
	(pc) =	sbr.rel @p0 .LBB2_1-.Ltmp1, $4  }
0x52: {  	[hbm:s7], [sflag:s11] =	dma.local [spmem:s12], $0x2780  }
0x53: {  	_ =	swait.ge [sflag:s10], $0x2780  }
0x54: {  	[sflag:s10] =	ssyncset.done $0x0  }
0x55: {  	[sflag:s10] =	ssyncadd.s32 $0xFFFFD880  }
0x56: {  	_ =	sfence.sel $0x180000  }
0x57: {  	[bflag:$0x0] =	sbarrier.arrive $0xFFFF  }
0x58: {  	p0 =	sne.s32 s0, $0x0;
	_ =	strace $0x90000047  }
0x59: {  	s0 =	sadd.s32 @!p0 $0x100000, s1;
	[bflag:$0x2] =	sbarrier.arrive $0xFFFF  }
0x5a: {  	[sflag:s0] =	ssyncadd.tile.s32 @!p0 $0x1;
	_ =	shalt  }
.Lfunc_end2:
_tile_overlayer_lowered:
.L_overlay_start_2:
0x5b: {  	(tag) =	ssettag $0x2  }
0x5c: {  	s0 =	rddreg [dreg:$0x0];
	s2 =	stileid.u32  }
0x5d: {  	s1 =	rddreg [dreg:$0x1];
	p0 =	sne.s32 s2, $0x0  }
0x5e: {  	s3 =	rddreg [dreg:$0x2];
	[bflag:$0x3] =	sbarrier.arrive $0xFFFF;
	s2 =	simm.s32 @!p0 $0x1C02  }
0x5f: {  	[timem:s3], [sflag:s2] =	dma.local @!p0 [hbm:s0], s1  }
0x60: {  	s0 =	simm.s32 @!p0 $0x2  }
0x61: {  	_ =	swait.ge @!p0 [sflag:s0], s1  }
0x62: {  	s1 =	ssub.s32 @!p0 $0x0, s1;
	[sflag:s0] =	ssyncset.done @!p0 $0x0  }
0x63: {  	[sflag:s0] =	ssyncadd.s32 @!p0 s1  }
0x64: {  	[bflag:$0x3] =	sbarrier.arrive $0xFFFF  }
0x65: {  	_ =	shalt  }

</sc_bundles>
